<compile_context>
chip_gen: v7x
topology: tpu7x:2x2x1
jax: 0.10.2.dev20260603
libtpu: 0.0.44.dev20260713+nightly
codegen_flags: <defaults>
</compile_context>

<pallas_src>
import functools

import jax
import jax.numpy as jnp
from jax import lax
from jax.experimental import pallas as pl
from jax.experimental.pallas import tpu as pltpu
from jax.experimental.pallas import tpu_sc as plsc

_NC = 2
_NS = 16

_CHUNK = 128
_NB = 2
_NI = 4
_N_PAD = 10240
_ROWS_PER_TILE = _N_PAD // _NS
_DH = 64


def _linear_tc(h, W, b):
    n, d_in = h.shape
    d_out = W.shape[0]
    blk = 1024
    assert _N_PAD % blk == 0

    def body(h_ref, w_ref, b_ref, o_ref):
        r = lax.dot_general(
            h_ref[...], w_ref[...],
            (((1,), (1,)), ((), ())),
            preferred_element_type=jnp.float32,
            precision=lax.Precision.HIGHEST,
        ) + b_ref[...]
        o_ref[0] = r[:, :_DH]
        o_ref[1] = r[:, _DH:]

    return pl.pallas_call(
        body,
        grid=(_N_PAD // blk,),
        in_specs=[
            pl.BlockSpec((blk, d_in), lambda i: (i, 0)),
            pl.BlockSpec((d_out, d_in), lambda i: (0, 0)),
            pl.BlockSpec((1, d_out), lambda i: (0, 0)),
        ],
        out_specs=pl.BlockSpec((_NC, blk, _DH), lambda i: (0, i, 0)),
        out_shape=jax.ShapeDtypeStruct((_NC, _N_PAD, _DH), jnp.float32),
    )(h, W, b.reshape(1, d_out))


def _make_sc_agg(cpt):
    mesh = plsc.VectorSubcoreMesh(core_axis_name="c", subcore_axis_name="s")

    @functools.partial(
        pl.kernel,
        out_type=[
            jax.ShapeDtypeStruct((_NC * _N_PAD, _DH), jnp.float32),
            jax.ShapeDtypeStruct((_NC * _N_PAD, 16), jnp.float32),
        ],
        mesh=mesh,
        compiler_params=pltpu.CompilerParams(use_tc_tiling_on_sc=False),
        scratch_types=(
            [pltpu.VMEM((1, _CHUNK), jnp.int32)] * (2 * _NI)
            + [pltpu.VMEM((_CHUNK, _DH), jnp.float32)] * _NB
            + [
                pltpu.VMEM((_CHUNK, 16), jnp.float32),
                pltpu.VMEM((_CHUNK, 16), jnp.float32),
                pltpu.VMEM_SHARED((_N_PAD, _DH), jnp.float32),
                pltpu.VMEM_SHARED((_N_PAD, _DH), jnp.float32),
                pltpu.VMEM_SHARED((_N_PAD, 16), jnp.float32),
            ]
            + [pltpu.SemaphoreType.DMA] * (_NB + 2 * _NI)
        ),
    )
    def sc_agg(hlin_hbm, src_hbm, dst_hbm, acc_out, deg_out, *scr):
        sas = list(scr[0:_NI])
        das = list(scr[_NI:2 * _NI])
        rows = list(scr[2 * _NI:2 * _NI + _NB])
        ones_v, z16_v, tab_sh, acc_sh, deg_sh = \
            scr[2 * _NI + _NB:2 * _NI + _NB + 5]
        p = 2 * _NI + _NB + 5
        gsems = list(scr[p:p + _NB])
        sis = list(scr[p + _NB:p + _NB + _NI])
        dis = list(scr[p + _NB + _NI:p + _NB + 2 * _NI])

        c = lax.axis_index("c")
        s = lax.axis_index("s")
        t0 = s * cpt

        @pl.loop(0, _CHUNK)
        def _(i):
            ones_v[i, pl.ds(0, 16)] = jnp.ones((16,), jnp.float32)
            z16_v[i, pl.ds(0, 16)] = jnp.zeros((16,), jnp.float32)

            @pl.loop(0, _DH // 16)
            def _(j):
                rows[0][i, pl.ds(j * 16, 16)] = jnp.zeros((16,), jnp.float32)

        base = s * _ROWS_PER_TILE
        pltpu.sync_copy(hlin_hbm.at[c].at[pl.ds(base, _ROWS_PER_TILE)],
                        tab_sh.at[pl.ds(base, _ROWS_PER_TILE)])

        @pl.loop(0, _ROWS_PER_TILE // _CHUNK)
        def _(k):
            pltpu.sync_copy(rows[0],
                            acc_sh.at[pl.ds(base + k * _CHUNK, _CHUNK)])
            pltpu.sync_copy(z16_v,
                            deg_sh.at[pl.ds(base + k * _CHUNK, _CHUNK)])

        plsc.subcore_barrier()

        def idx_start(j, k):
            pltpu.async_copy(src_hbm.at[pl.ds(t0 + j, 1)], sas[k], sis[k])
            pltpu.async_copy(dst_hbm.at[pl.ds(t0 + j, 1)], das[k], dis[k])

        def idx_wait(j, k):
            pltpu.make_async_copy(
                src_hbm.at[pl.ds(t0 + j, 1)], sas[k], sis[k]).wait()
            pltpu.make_async_copy(
                dst_hbm.at[pl.ds(t0 + j, 1)], das[k], dis[k]).wait()

        def gather_start(ki, kr):
            pltpu.async_copy(tab_sh.at[sas[ki].at[0]], rows[kr], gsems[kr])

        def gather_wait(ki, kr):
            pltpu.make_async_copy(
                tab_sh.at[sas[ki].at[0]], rows[kr], gsems[kr]).wait()

        for k in range(_NI):
            idx_start(k, k)
        for k in range(_NB):
            idx_wait(k, k)
            gather_start(k, k)

        @pl.loop(0, cpt // _NI)
        def _(i):
            j0 = _NI * i
            for k in range(_NI):
                j = j0 + k
                kr = k % _NB
                gather_wait(k, kr)
                pltpu.sync_copy(rows[kr], acc_sh.at[das[k].at[0]], add=True)

                @pl.when(lax.rem(j, 2) == c)
                def _():
                    pltpu.sync_copy(ones_v, deg_sh.at[das[k].at[0]],
                                    add=True)

                @pl.when(j + _NB < cpt)
                def _():
                    idx_wait(j + _NB, (k + _NB) % _NI)
                    gather_start((k + _NB) % _NI, kr)

                @pl.when(j + _NI < cpt)
                def _():
                    idx_start(j + _NI, k)

        plsc.subcore_barrier()

        out_base = c * _N_PAD + base
        pltpu.sync_copy(acc_sh.at[pl.ds(base, _ROWS_PER_TILE)],
                        acc_out.at[pl.ds(out_base, _ROWS_PER_TILE)])
        pltpu.sync_copy(deg_sh.at[pl.ds(base, _ROWS_PER_TILE)],
                        deg_out.at[pl.ds(out_base, _ROWS_PER_TILE)])

    return sc_agg


def _finalize_tc(acc, deg, n, d):
    blk = 2000
    assert n % blk == 0
    acc3 = acc.reshape(_NC, _N_PAD, _DH)
    deg3 = deg.reshape(_NC, _N_PAD, 16)

    def body(a_ref, g_ref, o_ref):
        dsum = jnp.maximum(g_ref[0, :, 0:1] + g_ref[1, :, 0:1], 1.0)
        o_ref[...] = jnp.concatenate([a_ref[0], a_ref[1]], axis=1) / dsum

    return pl.pallas_call(
        body,
        grid=(n // blk,),
        in_specs=[
            pl.BlockSpec((_NC, blk, _DH), lambda i: (0, i, 0)),
            pl.BlockSpec((_NC, blk, 16), lambda i: (0, i, 0)),
        ],
        out_specs=pl.BlockSpec((blk, d), lambda i: (i, 0)),
        out_shape=jax.ShapeDtypeStruct((n, d), jnp.float32),
    )(acc3, deg3)


def kernel(h, edge_index, W, b):
    n, d_in = h.shape
    d = W.shape[0]
    e = edge_index.shape[1]

    h_lin = _linear_tc(h, W, b)

    chunks = -(-e // _CHUNK)
    cpt = -(-chunks // _NS) * _NS // _NS
    cpt = -(-cpt // _NI) * _NI
    e_pad = cpt * _NS * _CHUNK
    src = edge_index[0].astype(jnp.int32)
    dst = edge_index[1].astype(jnp.int32)
    pad = e_pad - e
    src_p = jnp.concatenate([src, jnp.zeros((pad,), jnp.int32)])
    dst_p = jnp.concatenate([dst, jnp.full((pad,), _N_PAD - 8, jnp.int32)])
    src2 = src_p.reshape(cpt * _NS, _CHUNK)
    dst2 = dst_p.reshape(cpt * _NS, _CHUNK)

    acc, deg = _make_sc_agg(cpt)(h_lin, src2, dst2)
    return _finalize_tc(acc, deg, n, d)

# --- scband reference (transcript-rebuilt; emitter-appended) ---
"""Pipeline reference for scband-gcn-layer-31739808318040 (READ-ONLY COPY).

The authoritative reference and input builder live on the scoring server;
editing this copy changes nothing except your own understanding.
"""

import jax, jax.numpy as jnp
import numpy as np

N_NODES = 10000
N_EDGES = 320000
D_IN = 128
D_OUT = 128


def setup_inputs(seed: int = 0) -> dict:
    key = jax.random.key(seed)
    k1, k2, k3, k4 = jax.random.split(key, 4)
    h = jax.random.normal(k1, (N_NODES, D_IN), dtype=jnp.float32)
    edge_index = jax.random.randint(k2, (2, N_EDGES), 0, N_NODES)
    # Learned params of nn.Linear(input_dim, output_dim)
    W = jax.random.normal(k3, (D_OUT, D_IN), dtype=jnp.float32) * 0.05
    b = jax.random.normal(k4, (D_OUT,), dtype=jnp.float32) * 0.05
    return {"h": h, "edge_index": edge_index, "W": W, "b": b}


def reference(h, edge_index, W, b):
    # graph.ndata['h'] = self.linear(h)
    h_lin = h @ W.T + b
    src = edge_index[0]
    dst = edge_index[1]
    n = h.shape[0]
    # update_all(copy_u('h','m'), mean('m','h')):
    # gather source features along edges, scatter-add into dst, divide by in-degree.
    msg = jnp.take(h_lin, src, axis=0)
    agg = jax.ops.segment_sum(msg, dst, num_segments=n)
    deg = jax.ops.segment_sum(jnp.ones((src.shape[0],), dtype=h_lin.dtype), dst, num_segments=n)
    # DGL mean over empty mailbox yields 0; guard divide-by-zero
    out = agg / jnp.maximum(deg, 1.0)[:, None]
    # activation is None -> identity
    return out

if __name__ == "__main__":
    import jax
    _d = setup_inputs()
    print(jax.jit(kernel)(*tuple(_d.values())))

</pallas_src>

<mosaic_0001>
#map = affine_map<(d0, d1) -> (0, 0, 0)>
#map1 = affine_map<(d0, d1) -> (0, 0)>
module attributes {stable_mosaic.version = 14 : i64} {
  func.func @sc_agg(%arg0: i32, %arg1: i32, %arg2: memref<2x10240x64xf32, #tpu.memory_space<hbm>>, %arg3: memref<2560x128xi32, #tpu.memory_space<hbm>>, %arg4: memref<2560x128xi32, #tpu.memory_space<hbm>>, %arg5: memref<20480x64xf32, #tpu.memory_space<hbm>>, %arg6: memref<20480x16xf32, #tpu.memory_space<hbm>>, %arg7: memref<1x128xi32, #tpu.memory_space<vmem>>, %arg8: memref<1x128xi32, #tpu.memory_space<vmem>>, %arg9: memref<1x128xi32, #tpu.memory_space<vmem>>, %arg10: memref<1x128xi32, #tpu.memory_space<vmem>>, %arg11: memref<1x128xi32, #tpu.memory_space<vmem>>, %arg12: memref<1x128xi32, #tpu.memory_space<vmem>>, %arg13: memref<1x128xi32, #tpu.memory_space<vmem>>, %arg14: memref<1x128xi32, #tpu.memory_space<vmem>>, %arg15: memref<128x64xf32, #tpu.memory_space<vmem>>, %arg16: memref<128x64xf32, #tpu.memory_space<vmem>>, %arg17: memref<128x16xf32, #tpu.memory_space<vmem>>, %arg18: memref<128x16xf32, #tpu.memory_space<vmem>>, %arg19: memref<10240x64xf32, #tpu.memory_space<vmem_shared>>, %arg20: memref<10240x64xf32, #tpu.memory_space<vmem_shared>>, %arg21: memref<10240x16xf32, #tpu.memory_space<vmem_shared>>, %arg22: memref<!tpu.dma_semaphore, #tpu.memory_space<semaphore_mem>>, %arg23: memref<!tpu.dma_semaphore, #tpu.memory_space<semaphore_mem>>, %arg24: memref<!tpu.dma_semaphore, #tpu.memory_space<semaphore_mem>>, %arg25: memref<!tpu.dma_semaphore, #tpu.memory_space<semaphore_mem>>, %arg26: memref<!tpu.dma_semaphore, #tpu.memory_space<semaphore_mem>>, %arg27: memref<!tpu.dma_semaphore, #tpu.memory_space<semaphore_mem>>, %arg28: memref<!tpu.dma_semaphore, #tpu.memory_space<semaphore_mem>>, %arg29: memref<!tpu.dma_semaphore, #tpu.memory_space<semaphore_mem>>, %arg30: memref<!tpu.dma_semaphore, #tpu.memory_space<semaphore_mem>>, %arg31: memref<!tpu.dma_semaphore, #tpu.memory_space<semaphore_mem>>) attributes {dimension_semantics = [#tpu.dimension_semantics<core_parallel>, #tpu.dimension_semantics<subcore_parallel>], iteration_bounds = array<i64: 2, 16>, scalar_prefetch = 0 : i64, scratch_operands = 25 : i64, tpu.core_type = #tpu.core_type<sc_vector_subcore>, window_params = [{transform_indices = #map}, {transform_indices = #map1}, {transform_indices = #map1}, {transform_indices = #map1}, {transform_indices = #map1}]} {
    %mul3A = arith.constant 160 : i32
    %mul3A_0 = arith.muli %arg1, %mul3A : i32
    %scan3A = arith.constant 0 : i32
    %scan3A_1 = arith.constant 128 : i32
    %scan3A_2 = arith.addi %scan3A, %scan3A_1 : i32
    %scan3A_3 = arith.constant 1 : i32
    scf.for %scan3A_104 = %scan3A to %scan3A_2 step %scan3A_3  : i32 {
      %mul3A_105 = arith.constant 1 : i32
      %mul3A_106 = arith.muli %scan3A_104, %mul3A_105 : i32
      %add3A_107 = arith.constant 0 : i32
      %add3A_108 = arith.addi %add3A_107, %mul3A_106 : i32
      %broadcast_in_dim3A = arith.constant 1.000000e+00 : f32
      %broadcast_in_dim3A_109 = vector.broadcast %broadcast_in_dim3A : f32 to vector<16xf32>
      %swap3A = arith.index_cast %add3A_108 : i32 to index
      %swap3A_110 = arith.constant 0 : index
      %swap3A_111 = tpu.vector_load %arg17[%swap3A, %swap3A_110] {strides = array<i32>} : memref<128x16xf32, #tpu.memory_space<vmem>>, vector<1x16xf32>,
      %swap3A_112 = vector.shape_cast %swap3A_111 : vector<1x16xf32> to vector<16xf32>
      %swap3A_113 = vector.shape_cast %broadcast_in_dim3A_109 : vector<16xf32> to vector<1x16xf32>
      tpu.vector_store %arg17[%swap3A, %swap3A_110], %swap3A_113 {strides = array<i32>} : memref<128x16xf32, #tpu.memory_space<vmem>>, vector<1x16xf32>,
      %broadcast_in_dim3A_114 = arith.constant 0.000000e+00 : f32
      %broadcast_in_dim3A_115 = vector.broadcast %broadcast_in_dim3A_114 : f32 to vector<16xf32>
      %swap3A_116 = arith.index_cast %add3A_108 : i32 to index
      %swap3A_117 = arith.constant 0 : index
      %swap3A_118 = tpu.vector_load %arg18[%swap3A_116, %swap3A_117] {strides = array<i32>} : memref<128x16xf32, #tpu.memory_space<vmem>>, vector<1x16xf32>,
      %swap3A_119 = vector.shape_cast %swap3A_118 : vector<1x16xf32> to vector<16xf32>
      %swap3A_120 = vector.shape_cast %broadcast_in_dim3A_115 : vector<16xf32> to vector<1x16xf32>
      tpu.vector_store %arg18[%swap3A_116, %swap3A_117], %swap3A_120 {strides = array<i32>} : memref<128x16xf32, #tpu.memory_space<vmem>>, vector<1x16xf32>,
      %scan3A_121 = arith.constant 0 : i32
      %scan3A_122 = arith.constant 4 : i32
      %scan3A_123 = arith.addi %scan3A_121, %scan3A_122 : i32
      %scan3A_124 = arith.constant 1 : i32
      scf.for %scan3A_126 = %scan3A_121 to %scan3A_123 step %scan3A_124  : i32 {
        %mul3A_127 = arith.constant 1 : i32
        %mul3A_128 = arith.muli %scan3A_126, %mul3A_127 : i32
        %add3A_129 = arith.constant 0 : i32
        %add3A_130 = arith.addi %add3A_129, %mul3A_128 : i32
        %broadcast_in_dim3A_131 = arith.constant 0.000000e+00 : f32
        %broadcast_in_dim3A_132 = vector.broadcast %broadcast_in_dim3A_131 : f32 to vector<16xf32>
        %mul3A_133 = arith.constant 16 : i32
        %mul3A_134 = arith.muli %add3A_130, %mul3A_133 : i32
        %swap3A_135 = arith.index_cast %add3A_108 : i32 to index
        %swap3A_136 = arith.index_cast %mul3A_134 : i32 to index
        %swap3A_137 = tpu.vector_load %arg15[%swap3A_135, %swap3A_136] {strides = array<i32>} : memref<128x64xf32, #tpu.memory_space<vmem>>, vector<1x16xf32>,
        %swap3A_138 = vector.shape_cast %swap3A_137 : vector<1x16xf32> to vector<16xf32>
        %swap3A_139 = vector.shape_cast %broadcast_in_dim3A_132 : vector<16xf32> to vector<1x16xf32>
        tpu.vector_store %arg15[%swap3A_135, %swap3A_136], %swap3A_139 {strides = array<i32>} : memref<128x64xf32, #tpu.memory_space<vmem>>, vector<1x16xf32>,
      }
      %scan3A_125 = arith.constant 4 : i32
    }
    %scan3A_4 = arith.constant 128 : i32
    %mul3A_5 = arith.constant 640 : i32
    %mul3A_6 = arith.muli %arg1, %mul3A_5 : i32
    "tpu.region"() ({
      %run_scoped3A = tpu.sem_alloc : memref<!tpu.dma_semaphore, #tpu.memory_space<semaphore_mem>>
      %dma_start3A_104 = arith.constant 0 : i32
      %dma_start3A_105 = tpu.memref_slice %arg19[%mul3A_6, %dma_start3A_104] : memref<10240x64xf32, #tpu.memory_space<vmem_shared>> -> memref<640x64xf32, #tpu.memory_space<vmem_shared>>
      %dma_start3A_106 = arith.constant 0 : i32
      %dma_start3A_107 = arith.constant 0 : i32
      %dma_start3A_108 = tpu.memref_slice %arg2[%arg0, %dma_start3A_106, %dma_start3A_107] : memref<2x10240x64xf32, #tpu.memory_space<hbm>> -> memref<1x10240x64xf32, #tpu.memory_space<hbm>>
      %dma_start3A_109 = tpu.memref_squeeze %dma_start3A_108 : memref<1x10240x64xf32, #tpu.memory_space<hbm>> -> memref<10240x64xf32, #tpu.memory_space<hbm>>
      %dma_start3A_110 = arith.constant 0 : i32
      %dma_start3A_111 = tpu.memref_slice %dma_start3A_109[%mul3A_6, %dma_start3A_110] : memref<10240x64xf32, #tpu.memory_space<hbm>> -> memref<640x64xf32, #tpu.memory_space<hbm>>
      tpu.enqueue_dma source(%dma_start3A_111 : memref<640x64xf32, #tpu.memory_space<hbm>>) target(%dma_start3A_105 : memref<640x64xf32, #tpu.memory_space<vmem_shared>>) target_semaphore(%run_scoped3A : memref<!tpu.dma_semaphore, #tpu.memory_space<semaphore_mem>>)
      %dma_wait3A_112 = arith.constant 0 : i32
      %dma_wait3A_113 = tpu.memref_slice %arg19[%mul3A_6, %dma_wait3A_112] : memref<10240x64xf32, #tpu.memory_space<vmem_shared>> -> memref<640x64xf32, #tpu.memory_space<vmem_shared>>
      %dma_wait3A_114 = arith.constant 0 : i32
      %dma_wait3A_115 = arith.constant 0 : i32
      %dma_wait3A_116 = tpu.memref_slice %arg2[%arg0, %dma_wait3A_114, %dma_wait3A_115] : memref<2x10240x64xf32, #tpu.memory_space<hbm>> -> memref<1x10240x64xf32, #tpu.memory_space<hbm>>
      %dma_wait3A_117 = tpu.memref_squeeze %dma_wait3A_116 : memref<1x10240x64xf32, #tpu.memory_space<hbm>> -> memref<10240x64xf32, #tpu.memory_space<hbm>>
      %dma_wait3A_118 = arith.constant 0 : i32
      %dma_wait3A_119 = tpu.memref_slice %dma_wait3A_117[%mul3A_6, %dma_wait3A_118] : memref<10240x64xf32, #tpu.memory_space<hbm>> -> memref<640x64xf32, #tpu.memory_space<hbm>>
      tpu.wait_dma2 semaphore(%run_scoped3A : memref<!tpu.dma_semaphore, #tpu.memory_space<semaphore_mem>>) src(%dma_wait3A_119 : memref<640x64xf32, #tpu.memory_space<hbm>>) dst(%dma_wait3A_113 : memref<640x64xf32, #tpu.memory_space<vmem_shared>>)
      tpu.yield
    }) : () -> ()
    %scan3A_7 = arith.constant 0 : i32
    %scan3A_8 = arith.constant 5 : i32
    %scan3A_9 = arith.addi %scan3A_7, %scan3A_8 : i32
    %scan3A_10 = arith.constant 1 : i32
    scf.for %scan3A_104 = %scan3A_7 to %scan3A_9 step %scan3A_10  : i32 {
      %mul3A_105 = arith.constant 1 : i32
      %mul3A_106 = arith.muli %scan3A_104, %mul3A_105 : i32
      %add3A_107 = arith.constant 0 : i32
      %add3A_108 = arith.addi %add3A_107, %mul3A_106 : i32
      %mul3A_109 = arith.constant 128 : i32
      %mul3A_110 = arith.muli %add3A_108, %mul3A_109 : i32
      %add3A_111 = arith.addi %mul3A_6, %mul3A_110 : i32
      "tpu.region"() ({
        %run_scoped3A = tpu.sem_alloc : memref<!tpu.dma_semaphore, #tpu.memory_space<semaphore_mem>>
        %dma_start3A_115 = arith.constant 0 : i32
        %dma_start3A_116 = tpu.memref_slice %arg20[%add3A_111, %dma_start3A_115] : memref<10240x64xf32, #tpu.memory_space<vmem_shared>> -> memref<128x64xf32, #tpu.memory_space<vmem_shared>>
        %dma_start3A_117 = arith.constant 0 : i32
        %dma_start3A_118 = tpu.memref_slice %arg20[%add3A_111, %dma_start3A_117] : memref<10240x64xf32, #tpu.memory_space<vmem_shared>> -> memref<128x64xf32, #tpu.memory_space<vmem_shared>>
        tpu.enqueue_dma source(%arg15 : memref<128x64xf32, #tpu.memory_space<vmem>>) target(%dma_start3A_118 : memref<128x64xf32, #tpu.memory_space<vmem_shared>>) target_semaphore(%run_scoped3A : memref<!tpu.dma_semaphore, #tpu.memory_space<semaphore_mem>>)
        %dma_wait3A_119 = arith.constant 0 : i32
        %dma_wait3A_120 = tpu.memref_slice %arg20[%add3A_111, %dma_wait3A_119] : memref<10240x64xf32, #tpu.memory_space<vmem_shared>> -> memref<128x64xf32, #tpu.memory_space<vmem_shared>>
        %dma_wait3A_121 = arith.constant 0 : i32
        %dma_wait3A_122 = tpu.memref_slice %arg20[%add3A_111, %dma_wait3A_121] : memref<10240x64xf32, #tpu.memory_space<vmem_shared>> -> memref<128x64xf32, #tpu.memory_space<vmem_shared>>
        tpu.wait_dma2 semaphore(%run_scoped3A : memref<!tpu.dma_semaphore, #tpu.memory_space<semaphore_mem>>) src(%arg15 : memref<128x64xf32, #tpu.memory_space<vmem>>) dst(%dma_wait3A_122 : memref<128x64xf32, #tpu.memory_space<vmem_shared>>)
        tpu.yield
      }) : () -> ()
      %mul3A_112 = arith.constant 128 : i32
      %mul3A_113 = arith.muli %add3A_108, %mul3A_112 : i32
      %add3A_114 = arith.addi %mul3A_6, %mul3A_113 : i32
      "tpu.region"() ({
        %run_scoped3A = tpu.sem_alloc : memref<!tpu.dma_semaphore, #tpu.memory_space<semaphore_mem>>
        %dma_start3A_115 = arith.constant 0 : i32
        %dma_start3A_116 = tpu.memref_slice %arg21[%add3A_114, %dma_start3A_115] : memref<10240x16xf32, #tpu.memory_space<vmem_shared>> -> memref<128x16xf32, #tpu.memory_space<vmem_shared>>
        %dma_start3A_117 = arith.constant 0 : i32
        %dma_start3A_118 = tpu.memref_slice %arg21[%add3A_114, %dma_start3A_117] : memref<10240x16xf32, #tpu.memory_space<vmem_shared>> -> memref<128x16xf32, #tpu.memory_space<vmem_shared>>
        tpu.enqueue_dma source(%arg18 : memref<128x16xf32, #tpu.memory_space<vmem>>) target(%dma_start3A_118 : memref<128x16xf32, #tpu.memory_space<vmem_shared>>) target_semaphore(%run_scoped3A : memref<!tpu.dma_semaphore, #tpu.memory_space<semaphore_mem>>)
        %dma_wait3A_119 = arith.constant 0 : i32
        %dma_wait3A_120 = tpu.memref_slice %arg21[%add3A_114, %dma_wait3A_119] : memref<10240x16xf32, #tpu.memory_space<vmem_shared>> -> memref<128x16xf32, #tpu.memory_space<vmem_shared>>
        %dma_wait3A_121 = arith.constant 0 : i32
        %dma_wait3A_122 = tpu.memref_slice %arg21[%add3A_114, %dma_wait3A_121] : memref<10240x16xf32, #tpu.memory_space<vmem_shared>> -> memref<128x16xf32, #tpu.memory_space<vmem_shared>>
        tpu.wait_dma2 semaphore(%run_scoped3A : memref<!tpu.dma_semaphore, #tpu.memory_space<semaphore_mem>>) src(%arg18 : memref<128x16xf32, #tpu.memory_space<vmem>>) dst(%dma_wait3A_122 : memref<128x16xf32, #tpu.memory_space<vmem_shared>>)
        tpu.yield
      }) : () -> ()
    }
    %scan3A_11 = arith.constant 5 : i32
    %barrier3A = arith.constant 0 : index
    tpu.barrier barrier_id(%barrier3A)
    %add3A = arith.constant 0 : i32
    %add3A_12 = arith.addi %mul3A_0, %add3A : i32
    %dma_start3A = arith.constant 0 : i32
    %dma_start3A_13 = tpu.memref_slice %arg3[%add3A_12, %dma_start3A] : memref<2560x128xi32, #tpu.memory_space<hbm>> -> memref<1x128xi32, #tpu.memory_space<hbm>>
    %dma_start3A_14 = arith.constant 0 : i32
    %dma_start3A_15 = tpu.memref_slice %arg3[%add3A_12, %dma_start3A_14] : memref<2560x128xi32, #tpu.memory_space<hbm>> -> memref<1x128xi32, #tpu.memory_space<hbm>>
    tpu.enqueue_dma source(%dma_start3A_15 : memref<1x128xi32, #tpu.memory_space<hbm>>) target(%arg7 : memref<1x128xi32, #tpu.memory_space<vmem>>) target_semaphore(%arg24 : memref<!tpu.dma_semaphore, #tpu.memory_space<semaphore_mem>>)
    %add3A_16 = arith.constant 0 : i32
    %add3A_17 = arith.addi %mul3A_0, %add3A_16 : i32
    %dma_start3A_18 = arith.constant 0 : i32
    %dma_start3A_19 = tpu.memref_slice %arg4[%add3A_17, %dma_start3A_18] : memref<2560x128xi32, #tpu.memory_space<hbm>> -> memref<1x128xi32, #tpu.memory_space<hbm>>
    %dma_start3A_20 = arith.constant 0 : i32
    %dma_start3A_21 = tpu.memref_slice %arg4[%add3A_17, %dma_start3A_20] : memref<2560x128xi32, #tpu.memory_space<hbm>> -> memref<1x128xi32, #tpu.memory_space<hbm>>
    tpu.enqueue_dma source(%dma_start3A_21 : memref<1x128xi32, #tpu.memory_space<hbm>>) target(%arg11 : memref<1x128xi32, #tpu.memory_space<vmem>>) target_semaphore(%arg28 : memref<!tpu.dma_semaphore, #tpu.memory_space<semaphore_mem>>)
    %add3A_22 = arith.constant 1 : i32
    %add3A_23 = arith.addi %mul3A_0, %add3A_22 : i32
    %dma_start3A_24 = arith.constant 0 : i32
    %dma_start3A_25 = tpu.memref_slice %arg3[%add3A_23, %dma_start3A_24] : memref<2560x128xi32, #tpu.memory_space<hbm>> -> memref<1x128xi32, #tpu.memory_space<hbm>>
    %dma_start3A_26 = arith.constant 0 : i32
    %dma_start3A_27 = tpu.memref_slice %arg3[%add3A_23, %dma_start3A_26] : memref<2560x128xi32, #tpu.memory_space<hbm>> -> memref<1x128xi32, #tpu.memory_space<hbm>>
    tpu.enqueue_dma source(%dma_start3A_27 : memref<1x128xi32, #tpu.memory_space<hbm>>) target(%arg8 : memref<1x128xi32, #tpu.memory_space<vmem>>) target_semaphore(%arg25 : memref<!tpu.dma_semaphore, #tpu.memory_space<semaphore_mem>>)
    %add3A_28 = arith.constant 1 : i32
    %add3A_29 = arith.addi %mul3A_0, %add3A_28 : i32
    %dma_start3A_30 = arith.constant 0 : i32
    %dma_start3A_31 = tpu.memref_slice %arg4[%add3A_29, %dma_start3A_30] : memref<2560x128xi32, #tpu.memory_space<hbm>> -> memref<1x128xi32, #tpu.memory_space<hbm>>
    %dma_start3A_32 = arith.constant 0 : i32
    %dma_start3A_33 = tpu.memref_slice %arg4[%add3A_29, %dma_start3A_32] : memref<2560x128xi32, #tpu.memory_space<hbm>> -> memref<1x128xi32, #tpu.memory_space<hbm>>
    tpu.enqueue_dma source(%dma_start3A_33 : memref<1x128xi32, #tpu.memory_space<hbm>>) target(%arg12 : memref<1x128xi32, #tpu.memory_space<vmem>>) target_semaphore(%arg29 : memref<!tpu.dma_semaphore, #tpu.memory_space<semaphore_mem>>)
    %add3A_34 = arith.constant 2 : i32
    %add3A_35 = arith.addi %mul3A_0, %add3A_34 : i32
    %dma_start3A_36 = arith.constant 0 : i32
    %dma_start3A_37 = tpu.memref_slice %arg3[%add3A_35, %dma_start3A_36] : memref<2560x128xi32, #tpu.memory_space<hbm>> -> memref<1x128xi32, #tpu.memory_space<hbm>>
    %dma_start3A_38 = arith.constant 0 : i32
    %dma_start3A_39 = tpu.memref_slice %arg3[%add3A_35, %dma_start3A_38] : memref<2560x128xi32, #tpu.memory_space<hbm>> -> memref<1x128xi32, #tpu.memory_space<hbm>>
    tpu.enqueue_dma source(%dma_start3A_39 : memref<1x128xi32, #tpu.memory_space<hbm>>) target(%arg9 : memref<1x128xi32, #tpu.memory_space<vmem>>) target_semaphore(%arg26 : memref<!tpu.dma_semaphore, #tpu.memory_space<semaphore_mem>>)
    %add3A_40 = arith.constant 2 : i32
    %add3A_41 = arith.addi %mul3A_0, %add3A_40 : i32
    %dma_start3A_42 = arith.constant 0 : i32
    %dma_start3A_43 = tpu.memref_slice %arg4[%add3A_41, %dma_start3A_42] : memref<2560x128xi32, #tpu.memory_space<hbm>> -> memref<1x128xi32, #tpu.memory_space<hbm>>
    %dma_start3A_44 = arith.constant 0 : i32
    %dma_start3A_45 = tpu.memref_slice %arg4[%add3A_41, %dma_start3A_44] : memref<2560x128xi32, #tpu.memory_space<hbm>> -> memref<1x128xi32, #tpu.memory_space<hbm>>
    tpu.enqueue_dma source(%dma_start3A_45 : memref<1x128xi32, #tpu.memory_space<hbm>>) target(%arg13 : memref<1x128xi32, #tpu.memory_space<vmem>>) target_semaphore(%arg30 : memref<!tpu.dma_semaphore, #tpu.memory_space<semaphore_mem>>)
    %add3A_46 = arith.constant 3 : i32
    %add3A_47 = arith.addi %mul3A_0, %add3A_46 : i32
    %dma_start3A_48 = arith.constant 0 : i32
    %dma_start3A_49 = tpu.memref_slice %arg3[%add3A_47, %dma_start3A_48] : memref<2560x128xi32, #tpu.memory_space<hbm>> -> memref<1x128xi32, #tpu.memory_space<hbm>>
    %dma_start3A_50 = arith.constant 0 : i32
    %dma_start3A_51 = tpu.memref_slice %arg3[%add3A_47, %dma_start3A_50] : memref<2560x128xi32, #tpu.memory_space<hbm>> -> memref<1x128xi32, #tpu.memory_space<hbm>>
    tpu.enqueue_dma source(%dma_start3A_51 : memref<1x128xi32, #tpu.memory_space<hbm>>) target(%arg10 : memref<1x128xi32, #tpu.memory_space<vmem>>) target_semaphore(%arg27 : memref<!tpu.dma_semaphore, #tpu.memory_space<semaphore_mem>>)
    %add3A_52 = arith.constant 3 : i32
    %add3A_53 = arith.addi %mul3A_0, %add3A_52 : i32
    %dma_start3A_54 = arith.constant 0 : i32
    %dma_start3A_55 = tpu.memref_slice %arg4[%add3A_53, %dma_start3A_54] : memref<2560x128xi32, #tpu.memory_space<hbm>> -> memref<1x128xi32, #tpu.memory_space<hbm>>
    %dma_start3A_56 = arith.constant 0 : i32
    %dma_start3A_57 = tpu.memref_slice %arg4[%add3A_53, %dma_start3A_56] : memref<2560x128xi32, #tpu.memory_space<hbm>> -> memref<1x128xi32, #tpu.memory_space<hbm>>
    tpu.enqueue_dma source(%dma_start3A_57 : memref<1x128xi32, #tpu.memory_space<hbm>>) target(%arg14 : memref<1x128xi32, #tpu.memory_space<vmem>>) target_semaphore(%arg31 : memref<!tpu.dma_semaphore, #tpu.memory_space<semaphore_mem>>)
    %add3A_58 = arith.constant 0 : i32
    %add3A_59 = arith.addi %mul3A_0, %add3A_58 : i32
    %dma_wait3A = arith.constant 0 : i32
    %dma_wait3A_60 = tpu.memref_slice %arg3[%add3A_59, %dma_wait3A] : memref<2560x128xi32, #tpu.memory_space<hbm>> -> memref<1x128xi32, #tpu.memory_space<hbm>>
    %dma_wait3A_61 = arith.constant 0 : i32
    %dma_wait3A_62 = tpu.memref_slice %arg3[%add3A_59, %dma_wait3A_61] : memref<2560x128xi32, #tpu.memory_space<hbm>> -> memref<1x128xi32, #tpu.memory_space<hbm>>
    tpu.wait_dma2 semaphore(%arg24 : memref<!tpu.dma_semaphore, #tpu.memory_space<semaphore_mem>>) src(%dma_wait3A_62 : memref<1x128xi32, #tpu.memory_space<hbm>>) dst(%arg7 : memref<1x128xi32, #tpu.memory_space<vmem>>)
    %add3A_63 = arith.constant 0 : i32
    %add3A_64 = arith.addi %mul3A_0, %add3A_63 : i32
    %dma_wait3A_65 = arith.constant 0 : i32
    %dma_wait3A_66 = tpu.memref_slice %arg4[%add3A_64, %dma_wait3A_65] : memref<2560x128xi32, #tpu.memory_space<hbm>> -> memref<1x128xi32, #tpu.memory_space<hbm>>
    %dma_wait3A_67 = arith.constant 0 : i32
    %dma_wait3A_68 = tpu.memref_slice %arg4[%add3A_64, %dma_wait3A_67] : memref<2560x128xi32, #tpu.memory_space<hbm>> -> memref<1x128xi32, #tpu.memory_space<hbm>>
    tpu.wait_dma2 semaphore(%arg28 : memref<!tpu.dma_semaphore, #tpu.memory_space<semaphore_mem>>) src(%dma_wait3A_68 : memref<1x128xi32, #tpu.memory_space<hbm>>) dst(%arg11 : memref<1x128xi32, #tpu.memory_space<vmem>>)
    %dma_start3A_69 = arith.constant 0 : i32
    %dma_start3A_70 = arith.constant 0 : i32
    %dma_start3A_71 = tpu.memref_slice %arg7[%dma_start3A_69, %dma_start3A_70] : memref<1x128xi32, #tpu.memory_space<vmem>> -> memref<1x128xi32, #tpu.memory_space<vmem>>
    %dma_start3A_72 = tpu.memref_squeeze %dma_start3A_71 : memref<1x128xi32, #tpu.memory_space<vmem>> -> memref<128xi32, #tpu.memory_space<vmem>>
    %dma_start3A_73 = arith.constant 0 : i32
    %dma_start3A_74 = arith.constant 0 : i32
    %dma_start3A_75 = tpu.memref_slice %arg19[%dma_start3A_73, %dma_start3A_74] : memref<10240x64xf32, #tpu.memory_space<vmem_shared>> -> memref<10240x64xf32, #tpu.memory_space<vmem_shared>>
    tpu.enqueue_indirect_dma source(%dma_start3A_75 : memref<10240x64xf32, #tpu.memory_space<vmem_shared>>) target(%arg15 : memref<128x64xf32, #tpu.memory_space<vmem>>) offsets(%dma_start3A_72 : memref<128xi32, #tpu.memory_space<vmem>>) semaphore(%arg22 : memref<!tpu.dma_semaphore, #tpu.memory_space<semaphore_mem>>)
    %add3A_76 = arith.constant 1 : i32
    %add3A_77 = arith.addi %mul3A_0, %add3A_76 : i32
    %dma_wait3A_78 = arith.constant 0 : i32
    %dma_wait3A_79 = tpu.memref_slice %arg3[%add3A_77, %dma_wait3A_78] : memref<2560x128xi32, #tpu.memory_space<hbm>> -> memref<1x128xi32, #tpu.memory_space<hbm>>
    %dma_wait3A_80 = arith.constant 0 : i32
    %dma_wait3A_81 = tpu.memref_slice %arg3[%add3A_77, %dma_wait3A_80] : memref<2560x128xi32, #tpu.memory_space<hbm>> -> memref<1x128xi32, #tpu.memory_space<hbm>>
    tpu.wait_dma2 semaphore(%arg25 : memref<!tpu.dma_semaphore, #tpu.memory_space<semaphore_mem>>) src(%dma_wait3A_81 : memref<1x128xi32, #tpu.memory_space<hbm>>) dst(%arg8 : memref<1x128xi32, #tpu.memory_space<vmem>>)
    %add3A_82 = arith.constant 1 : i32
    %add3A_83 = arith.addi %mul3A_0, %add3A_82 : i32
    %dma_wait3A_84 = arith.constant 0 : i32
    %dma_wait3A_85 = tpu.memref_slice %arg4[%add3A_83, %dma_wait3A_84] : memref<2560x128xi32, #tpu.memory_space<hbm>> -> memref<1x128xi32, #tpu.memory_space<hbm>>
    %dma_wait3A_86 = arith.constant 0 : i32
    %dma_wait3A_87 = tpu.memref_slice %arg4[%add3A_83, %dma_wait3A_86] : memref<2560x128xi32, #tpu.memory_space<hbm>> -> memref<1x128xi32, #tpu.memory_space<hbm>>
    tpu.wait_dma2 semaphore(%arg29 : memref<!tpu.dma_semaphore, #tpu.memory_space<semaphore_mem>>) src(%dma_wait3A_87 : memref<1x128xi32, #tpu.memory_space<hbm>>) dst(%arg12 : memref<1x128xi32, #tpu.memory_space<vmem>>)
    %dma_start3A_88 = arith.constant 0 : i32
    %dma_start3A_89 = arith.constant 0 : i32
    %dma_start3A_90 = tpu.memref_slice %arg8[%dma_start3A_88, %dma_start3A_89] : memref<1x128xi32, #tpu.memory_space<vmem>> -> memref<1x128xi32, #tpu.memory_space<vmem>>
    %dma_start3A_91 = tpu.memref_squeeze %dma_start3A_90 : memref<1x128xi32, #tpu.memory_space<vmem>> -> memref<128xi32, #tpu.memory_space<vmem>>
    %dma_start3A_92 = arith.constant 0 : i32
    %dma_start3A_93 = arith.constant 0 : i32
    %dma_start3A_94 = tpu.memref_slice %arg19[%dma_start3A_92, %dma_start3A_93] : memref<10240x64xf32, #tpu.memory_space<vmem_shared>> -> memref<10240x64xf32, #tpu.memory_space<vmem_shared>>
    tpu.enqueue_indirect_dma source(%dma_start3A_94 : memref<10240x64xf32, #tpu.memory_space<vmem_shared>>) target(%arg16 : memref<128x64xf32, #tpu.memory_space<vmem>>) offsets(%dma_start3A_91 : memref<128xi32, #tpu.memory_space<vmem>>) semaphore(%arg23 : memref<!tpu.dma_semaphore, #tpu.memory_space<semaphore_mem>>)
    %scan3A_95 = arith.constant 0 : i32
    %scan3A_96 = arith.constant 40 : i32
    %scan3A_97 = arith.addi %scan3A_95, %scan3A_96 : i32
    %scan3A_98 = arith.constant 1 : i32
    scf.for %scan3A_104 = %scan3A_95 to %scan3A_97 step %scan3A_98  : i32 {
      %mul3A_105 = arith.constant 1 : i32
      %mul3A_106 = arith.muli %scan3A_104, %mul3A_105 : i32
      %add3A_107 = arith.constant 0 : i32
      %add3A_108 = arith.addi %add3A_107, %mul3A_106 : i32
      %mul3A_109 = arith.constant 4 : i32
      %mul3A_110 = arith.muli %mul3A_109, %add3A_108 : i32
      %add3A_111 = arith.constant 0 : i32
      %add3A_112 = arith.addi %mul3A_110, %add3A_111 : i32
      %dma_wait3A_113 = arith.constant 0 : i32
      %dma_wait3A_114 = arith.constant 0 : i32
      %dma_wait3A_115 = tpu.memref_slice %arg7[%dma_wait3A_113, %dma_wait3A_114] : memref<1x128xi32, #tpu.memory_space<vmem>> -> memref<1x128xi32, #tpu.memory_space<vmem>>
      %dma_wait3A_116 = tpu.memref_squeeze %dma_wait3A_115 : memref<1x128xi32, #tpu.memory_space<vmem>> -> memref<128xi32, #tpu.memory_space<vmem>>
      %dma_wait3A_117 = arith.constant 0 : i32
      %dma_wait3A_118 = arith.constant 0 : i32
      %dma_wait3A_119 = tpu.memref_slice %arg19[%dma_wait3A_117, %dma_wait3A_118] : memref<10240x64xf32, #tpu.memory_space<vmem_shared>> -> memref<10240x64xf32, #tpu.memory_space<vmem_shared>>
      tpu.wait_indirect_dma semaphore(%arg22 : memref<!tpu.dma_semaphore, #tpu.memory_space<semaphore_mem>>) src(%dma_wait3A_119 : memref<10240x64xf32, #tpu.memory_space<vmem_shared>>) dst(%arg15 : memref<128x64xf32, #tpu.memory_space<vmem>>)
      %run_scoped3A = arith.constant 0 : i32
      "tpu.region"() ({
        %run_scoped3A_225 = tpu.sem_alloc : memref<!tpu.dma_semaphore, #tpu.memory_space<semaphore_mem>>
        %dma_start3A_226 = arith.constant 0 : i32
        %dma_start3A_227 = tpu.memref_slice %arg11[%run_scoped3A, %dma_start3A_226] : memref<1x128xi32, #tpu.memory_space<vmem>> -> memref<1x128xi32, #tpu.memory_space<vmem>>
        %dma_start3A_228 = tpu.memref_squeeze %dma_start3A_227 : memref<1x128xi32, #tpu.memory_space<vmem>> -> memref<128xi32, #tpu.memory_space<vmem>>
        %dma_start3A_229 = arith.constant 0 : i32
        %dma_start3A_230 = arith.constant 0 : i32
        %dma_start3A_231 = tpu.memref_slice %arg20[%dma_start3A_229, %dma_start3A_230] : memref<10240x64xf32, #tpu.memory_space<vmem_shared>> -> memref<10240x64xf32, #tpu.memory_space<vmem_shared>>
        tpu.enqueue_indirect_dma source(%arg15 : memref<128x64xf32, #tpu.memory_space<vmem>>) target(%dma_start3A_231 : memref<10240x64xf32, #tpu.memory_space<vmem_shared>>) offsets(%dma_start3A_228 : memref<128xi32, #tpu.memory_space<vmem>>) semaphore(%run_scoped3A_225 : memref<!tpu.dma_semaphore, #tpu.memory_space<semaphore_mem>>) {add = true}
        %dma_wait3A_232 = arith.constant 0 : i32
        %dma_wait3A_233 = tpu.memref_slice %arg11[%run_scoped3A, %dma_wait3A_232] : memref<1x128xi32, #tpu.memory_space<vmem>> -> memref<1x128xi32, #tpu.memory_space<vmem>>
        %dma_wait3A_234 = tpu.memref_squeeze %dma_wait3A_233 : memref<1x128xi32, #tpu.memory_space<vmem>> -> memref<128xi32, #tpu.memory_space<vmem>>
        %dma_wait3A_235 = arith.constant 0 : i32
        %dma_wait3A_236 = arith.constant 0 : i32
        %dma_wait3A_237 = tpu.memref_slice %arg20[%dma_wait3A_235, %dma_wait3A_236] : memref<10240x64xf32, #tpu.memory_space<vmem_shared>> -> memref<10240x64xf32, #tpu.memory_space<vmem_shared>>
        tpu.wait_indirect_dma semaphore(%run_scoped3A_225 : memref<!tpu.dma_semaphore, #tpu.memory_space<semaphore_mem>>) src(%arg15 : memref<128x64xf32, #tpu.memory_space<vmem>>) dst(%dma_wait3A_237 : memref<10240x64xf32, #tpu.memory_space<vmem_shared>>)
        tpu.yield
      }) : () -> ()
      %rem3A = arith.constant 2 : i32
      %rem3A_120 = arith.remsi %add3A_112, %rem3A : i32
      %eq3A = arith.cmpi eq, %rem3A_120, %arg0 : i32
      %convert_element_type3A = arith.extui %eq3A : i1 to i32
      %cond3A = arith.constant 0 : i32
      %cond3A_121 = arith.cmpi ne, %convert_element_type3A, %cond3A : i32
      scf.if %cond3A_121 {
        %run_scoped3A_225 = arith.constant 0 : i32
        "tpu.region"() ({
          %run_scoped3A_226 = tpu.sem_alloc : memref<!tpu.dma_semaphore, #tpu.memory_space<semaphore_mem>>
          %dma_start3A_227 = arith.constant 0 : i32
          %dma_start3A_228 = tpu.memref_slice %arg11[%run_scoped3A_225, %dma_start3A_227] : memref<1x128xi32, #tpu.memory_space<vmem>> -> memref<1x128xi32, #tpu.memory_space<vmem>>
          %dma_start3A_229 = tpu.memref_squeeze %dma_start3A_228 : memref<1x128xi32, #tpu.memory_space<vmem>> -> memref<128xi32, #tpu.memory_space<vmem>>
          %dma_start3A_230 = arith.constant 0 : i32
          %dma_start3A_231 = arith.constant 0 : i32
          %dma_start3A_232 = tpu.memref_slice %arg21[%dma_start3A_230, %dma_start3A_231] : memref<10240x16xf32, #tpu.memory_space<vmem_shared>> -> memref<10240x16xf32, #tpu.memory_space<vmem_shared>>
          tpu.enqueue_indirect_dma source(%arg17 : memref<128x16xf32, #tpu.memory_space<vmem>>) target(%dma_start3A_232 : memref<10240x16xf32, #tpu.memory_space<vmem_shared>>) offsets(%dma_start3A_229 : memref<128xi32, #tpu.memory_space<vmem>>) semaphore(%run_scoped3A_226 : memref<!tpu.dma_semaphore, #tpu.memory_space<semaphore_mem>>) {add = true}
          %dma_wait3A_233 = arith.constant 0 : i32
          %dma_wait3A_234 = tpu.memref_slice %arg11[%run_scoped3A_225, %dma_wait3A_233] : memref<1x128xi32, #tpu.memory_space<vmem>> -> memref<1x128xi32, #tpu.memory_space<vmem>>
          %dma_wait3A_235 = tpu.memref_squeeze %dma_wait3A_234 : memref<1x128xi32, #tpu.memory_space<vmem>> -> memref<128xi32, #tpu.memory_space<vmem>>
          %dma_wait3A_236 = arith.constant 0 : i32
          %dma_wait3A_237 = arith.constant 0 : i32
          %dma_wait3A_238 = tpu.memref_slice %arg21[%dma_wait3A_236, %dma_wait3A_237] : memref<10240x16xf32, #tpu.memory_space<vmem_shared>> -> memref<10240x16xf32, #tpu.memory_space<vmem_shared>>
          tpu.wait_indirect_dma semaphore(%run_scoped3A_226 : memref<!tpu.dma_semaphore, #tpu.memory_space<semaphore_mem>>) src(%arg17 : memref<128x16xf32, #tpu.memory_space<vmem>>) dst(%dma_wait3A_238 : memref<10240x16xf32, #tpu.memory_space<vmem_shared>>)
          tpu.yield
        }) : () -> ()
      } else {
      }
      %add3A_122 = arith.constant 2 : i32
      %add3A_123 = arith.addi %add3A_112, %add3A_122 : i32
      %lt3A = arith.constant 160 : i32
      %lt3A_124 = arith.cmpi slt, %add3A_123, %lt3A : i32
      %convert_element_type3A_125 = arith.extui %lt3A_124 : i1 to i32
      %cond3A_126 = arith.constant 0 : i32
      %cond3A_127 = arith.cmpi ne, %convert_element_type3A_125, %cond3A_126 : i32
      scf.if %cond3A_127 {
        %add3A_225 = arith.constant 2 : i32
        %add3A_226 = arith.addi %add3A_112, %add3A_225 : i32
        %add3A_227 = arith.addi %mul3A_0, %add3A_226 : i32
        %dma_wait3A_228 = arith.constant 0 : i32
        %dma_wait3A_229 = tpu.memref_slice %arg3[%add3A_227, %dma_wait3A_228] : memref<2560x128xi32, #tpu.memory_space<hbm>> -> memref<1x128xi32, #tpu.memory_space<hbm>>
        %dma_wait3A_230 = arith.constant 0 : i32
        %dma_wait3A_231 = tpu.memref_slice %arg3[%add3A_227, %dma_wait3A_230] : memref<2560x128xi32, #tpu.memory_space<hbm>> -> memref<1x128xi32, #tpu.memory_space<hbm>>
        tpu.wait_dma2 semaphore(%arg26 : memref<!tpu.dma_semaphore, #tpu.memory_space<semaphore_mem>>) src(%dma_wait3A_231 : memref<1x128xi32, #tpu.memory_space<hbm>>) dst(%arg9 : memref<1x128xi32, #tpu.memory_space<vmem>>)
        %add3A_232 = arith.addi %mul3A_0, %add3A_226 : i32
        %dma_wait3A_233 = arith.constant 0 : i32
        %dma_wait3A_234 = tpu.memref_slice %arg4[%add3A_232, %dma_wait3A_233] : memref<2560x128xi32, #tpu.memory_space<hbm>> -> memref<1x128xi32, #tpu.memory_space<hbm>>
        %dma_wait3A_235 = arith.constant 0 : i32
        %dma_wait3A_236 = tpu.memref_slice %arg4[%add3A_232, %dma_wait3A_235] : memref<2560x128xi32, #tpu.memory_space<hbm>> -> memref<1x128xi32, #tpu.memory_space<hbm>>
        tpu.wait_dma2 semaphore(%arg30 : memref<!tpu.dma_semaphore, #tpu.memory_space<semaphore_mem>>) src(%dma_wait3A_236 : memref<1x128xi32, #tpu.memory_space<hbm>>) dst(%arg13 : memref<1x128xi32, #tpu.memory_space<vmem>>)
        %dma_start3A_237 = arith.constant 0 : i32
        %dma_start3A_238 = arith.constant 0 : i32
        %dma_start3A_239 = tpu.memref_slice %arg9[%dma_start3A_237, %dma_start3A_238] : memref<1x128xi32, #tpu.memory_space<vmem>> -> memref<1x128xi32, #tpu.memory_space<vmem>>
        %dma_start3A_240 = tpu.memref_squeeze %dma_start3A_239 : memref<1x128xi32, #tpu.memory_space<vmem>> -> memref<128xi32, #tpu.memory_space<vmem>>
        %dma_start3A_241 = arith.constant 0 : i32
        %dma_start3A_242 = arith.constant 0 : i32
        %dma_start3A_243 = tpu.memref_slice %arg19[%dma_start3A_241, %dma_start3A_242] : memref<10240x64xf32, #tpu.memory_space<vmem_shared>> -> memref<10240x64xf32, #tpu.memory_space<vmem_shared>>
        tpu.enqueue_indirect_dma source(%dma_start3A_243 : memref<10240x64xf32, #tpu.memory_space<vmem_shared>>) target(%arg15 : memref<128x64xf32, #tpu.memory_space<vmem>>) offsets(%dma_start3A_240 : memref<128xi32, #tpu.memory_space<vmem>>) semaphore(%arg22 : memref<!tpu.dma_semaphore, #tpu.memory_space<semaphore_mem>>)
      } else {
      }
      %add3A_128 = arith.constant 4 : i32
      %add3A_129 = arith.addi %add3A_112, %add3A_128 : i32
      %lt3A_130 = arith.constant 160 : i32
      %lt3A_131 = arith.cmpi slt, %add3A_129, %lt3A_130 : i32
      %convert_element_type3A_132 = arith.extui %lt3A_131 : i1 to i32
      %cond3A_133 = arith.constant 0 : i32
      %cond3A_134 = arith.cmpi ne, %convert_element_type3A_132, %cond3A_133 : i32
      scf.if %cond3A_134 {
        %add3A_225 = arith.constant 4 : i32
        %add3A_226 = arith.addi %add3A_112, %add3A_225 : i32
        %add3A_227 = arith.addi %mul3A_0, %add3A_226 : i32
        %dma_start3A_228 = arith.constant 0 : i32
        %dma_start3A_229 = tpu.memref_slice %arg3[%add3A_227, %dma_start3A_228] : memref<2560x128xi32, #tpu.memory_space<hbm>> -> memref<1x128xi32, #tpu.memory_space<hbm>>
        %dma_start3A_230 = arith.constant 0 : i32
        %dma_start3A_231 = tpu.memref_slice %arg3[%add3A_227, %dma_start3A_230] : memref<2560x128xi32, #tpu.memory_space<hbm>> -> memref<1x128xi32, #tpu.memory_space<hbm>>
        tpu.enqueue_dma source(%dma_start3A_231 : memref<1x128xi32, #tpu.memory_space<hbm>>) target(%arg7 : memref<1x128xi32, #tpu.memory_space<vmem>>) target_semaphore(%arg24 : memref<!tpu.dma_semaphore, #tpu.memory_space<semaphore_mem>>)
        %add3A_232 = arith.addi %mul3A_0, %add3A_226 : i32
        %dma_start3A_233 = arith.constant 0 : i32
        %dma_start3A_234 = tpu.memref_slice %arg4[%add3A_232, %dma_start3A_233] : memref<2560x128xi32, #tpu.memory_space<hbm>> -> memref<1x128xi32, #tpu.memory_space<hbm>>
        %dma_start3A_235 = arith.constant 0 : i32
        %dma_start3A_236 = tpu.memref_slice %arg4[%add3A_232, %dma_start3A_235] : memref<2560x128xi32, #tpu.memory_space<hbm>> -> memref<1x128xi32, #tpu.memory_space<hbm>>
        tpu.enqueue_dma source(%dma_start3A_236 : memref<1x128xi32, #tpu.memory_space<hbm>>) target(%arg11 : memref<1x128xi32, #tpu.memory_space<vmem>>) target_semaphore(%arg28 : memref<!tpu.dma_semaphore, #tpu.memory_space<semaphore_mem>>)
      } else {
      }
      %add3A_135 = arith.constant 1 : i32
      %add3A_136 = arith.addi %mul3A_110, %add3A_135 : i32
      %dma_wait3A_137 = arith.constant 0 : i32
      %dma_wait3A_138 = arith.constant 0 : i32
      %dma_wait3A_139 = tpu.memref_slice %arg8[%dma_wait3A_137, %dma_wait3A_138] : memref<1x128xi32, #tpu.memory_space<vmem>> -> memref<1x128xi32, #tpu.memory_space<vmem>>
      %dma_wait3A_140 = tpu.memref_squeeze %dma_wait3A_139 : memref<1x128xi32, #tpu.memory_space<vmem>> -> memref<128xi32, #tpu.memory_space<vmem>>
      %dma_wait3A_141 = arith.constant 0 : i32
      %dma_wait3A_142 = arith.constant 0 : i32
      %dma_wait3A_143 = tpu.memref_slice %arg19[%dma_wait3A_141, %dma_wait3A_142] : memref<10240x64xf32, #tpu.memory_space<vmem_shared>> -> memref<10240x64xf32, #tpu.memory_space<vmem_shared>>
      tpu.wait_indirect_dma semaphore(%arg23 : memref<!tpu.dma_semaphore, #tpu.memory_space<semaphore_mem>>) src(%dma_wait3A_143 : memref<10240x64xf32, #tpu.memory_space<vmem_shared>>) dst(%arg16 : memref<128x64xf32, #tpu.memory_space<vmem>>)
      %run_scoped3A_144 = arith.constant 0 : i32
      "tpu.region"() ({
        %run_scoped3A_225 = tpu.sem_alloc : memref<!tpu.dma_semaphore, #tpu.memory_space<semaphore_mem>>
        %dma_start3A_226 = arith.constant 0 : i32
        %dma_start3A_227 = tpu.memref_slice %arg12[%run_scoped3A_144, %dma_start3A_226] : memref<1x128xi32, #tpu.memory_space<vmem>> -> memref<1x128xi32, #tpu.memory_space<vmem>>
        %dma_start3A_228 = tpu.memref_squeeze %dma_start3A_227 : memref<1x128xi32, #tpu.memory_space<vmem>> -> memref<128xi32, #tpu.memory_space<vmem>>
        %dma_start3A_229 = arith.constant 0 : i32
        %dma_start3A_230 = arith.constant 0 : i32
        %dma_start3A_231 = tpu.memref_slice %arg20[%dma_start3A_229, %dma_start3A_230] : memref<10240x64xf32, #tpu.memory_space<vmem_shared>> -> memref<10240x64xf32, #tpu.memory_space<vmem_shared>>
        tpu.enqueue_indirect_dma source(%arg16 : memref<128x64xf32, #tpu.memory_space<vmem>>) target(%dma_start3A_231 : memref<10240x64xf32, #tpu.memory_space<vmem_shared>>) offsets(%dma_start3A_228 : memref<128xi32, #tpu.memory_space<vmem>>) semaphore(%run_scoped3A_225 : memref<!tpu.dma_semaphore, #tpu.memory_space<semaphore_mem>>) {add = true}
        %dma_wait3A_232 = arith.constant 0 : i32
        %dma_wait3A_233 = tpu.memref_slice %arg12[%run_scoped3A_144, %dma_wait3A_232] : memref<1x128xi32, #tpu.memory_space<vmem>> -> memref<1x128xi32, #tpu.memory_space<vmem>>
        %dma_wait3A_234 = tpu.memref_squeeze %dma_wait3A_233 : memref<1x128xi32, #tpu.memory_space<vmem>> -> memref<128xi32, #tpu.memory_space<vmem>>
        %dma_wait3A_235 = arith.constant 0 : i32
        %dma_wait3A_236 = arith.constant 0 : i32
        %dma_wait3A_237 = tpu.memref_slice %arg20[%dma_wait3A_235, %dma_wait3A_236] : memref<10240x64xf32, #tpu.memory_space<vmem_shared>> -> memref<10240x64xf32, #tpu.memory_space<vmem_shared>>
        tpu.wait_indirect_dma semaphore(%run_scoped3A_225 : memref<!tpu.dma_semaphore, #tpu.memory_space<semaphore_mem>>) src(%arg16 : memref<128x64xf32, #tpu.memory_space<vmem>>) dst(%dma_wait3A_237 : memref<10240x64xf32, #tpu.memory_space<vmem_shared>>)
        tpu.yield
      }) : () -> ()
      %rem3A_145 = arith.constant 2 : i32
      %rem3A_146 = arith.remsi %add3A_136, %rem3A_145 : i32
      %eq3A_147 = arith.cmpi eq, %rem3A_146, %arg0 : i32
      %convert_element_type3A_148 = arith.extui %eq3A_147 : i1 to i32
      %cond3A_149 = arith.constant 0 : i32
      %cond3A_150 = arith.cmpi ne, %convert_element_type3A_148, %cond3A_149 : i32
      scf.if %cond3A_150 {
        %run_scoped3A_225 = arith.constant 0 : i32
        "tpu.region"() ({
          %run_scoped3A_226 = tpu.sem_alloc : memref<!tpu.dma_semaphore, #tpu.memory_space<semaphore_mem>>
          %dma_start3A_227 = arith.constant 0 : i32
          %dma_start3A_228 = tpu.memref_slice %arg12[%run_scoped3A_225, %dma_start3A_227] : memref<1x128xi32, #tpu.memory_space<vmem>> -> memref<1x128xi32, #tpu.memory_space<vmem>>
          %dma_start3A_229 = tpu.memref_squeeze %dma_start3A_228 : memref<1x128xi32, #tpu.memory_space<vmem>> -> memref<128xi32, #tpu.memory_space<vmem>>
          %dma_start3A_230 = arith.constant 0 : i32
          %dma_start3A_231 = arith.constant 0 : i32
          %dma_start3A_232 = tpu.memref_slice %arg21[%dma_start3A_230, %dma_start3A_231] : memref<10240x16xf32, #tpu.memory_space<vmem_shared>> -> memref<10240x16xf32, #tpu.memory_space<vmem_shared>>
          tpu.enqueue_indirect_dma source(%arg17 : memref<128x16xf32, #tpu.memory_space<vmem>>) target(%dma_start3A_232 : memref<10240x16xf32, #tpu.memory_space<vmem_shared>>) offsets(%dma_start3A_229 : memref<128xi32, #tpu.memory_space<vmem>>) semaphore(%run_scoped3A_226 : memref<!tpu.dma_semaphore, #tpu.memory_space<semaphore_mem>>) {add = true}
          %dma_wait3A_233 = arith.constant 0 : i32
          %dma_wait3A_234 = tpu.memref_slice %arg12[%run_scoped3A_225, %dma_wait3A_233] : memref<1x128xi32, #tpu.memory_space<vmem>> -> memref<1x128xi32, #tpu.memory_space<vmem>>
          %dma_wait3A_235 = tpu.memref_squeeze %dma_wait3A_234 : memref<1x128xi32, #tpu.memory_space<vmem>> -> memref<128xi32, #tpu.memory_space<vmem>>
          %dma_wait3A_236 = arith.constant 0 : i32
          %dma_wait3A_237 = arith.constant 0 : i32
          %dma_wait3A_238 = tpu.memref_slice %arg21[%dma_wait3A_236, %dma_wait3A_237] : memref<10240x16xf32, #tpu.memory_space<vmem_shared>> -> memref<10240x16xf32, #tpu.memory_space<vmem_shared>>
          tpu.wait_indirect_dma semaphore(%run_scoped3A_226 : memref<!tpu.dma_semaphore, #tpu.memory_space<semaphore_mem>>) src(%arg17 : memref<128x16xf32, #tpu.memory_space<vmem>>) dst(%dma_wait3A_238 : memref<10240x16xf32, #tpu.memory_space<vmem_shared>>)
          tpu.yield
        }) : () -> ()
      } else {
      }
      %add3A_151 = arith.constant 2 : i32
      %add3A_152 = arith.addi %add3A_136, %add3A_151 : i32
      %lt3A_153 = arith.constant 160 : i32
      %lt3A_154 = arith.cmpi slt, %add3A_152, %lt3A_153 : i32
      %convert_element_type3A_155 = arith.extui %lt3A_154 : i1 to i32
      %cond3A_156 = arith.constant 0 : i32
      %cond3A_157 = arith.cmpi ne, %convert_element_type3A_155, %cond3A_156 : i32
      scf.if %cond3A_157 {
        %add3A_225 = arith.constant 2 : i32
        %add3A_226 = arith.addi %add3A_136, %add3A_225 : i32
        %add3A_227 = arith.addi %mul3A_0, %add3A_226 : i32
        %dma_wait3A_228 = arith.constant 0 : i32
        %dma_wait3A_229 = tpu.memref_slice %arg3[%add3A_227, %dma_wait3A_228] : memref<2560x128xi32, #tpu.memory_space<hbm>> -> memref<1x128xi32, #tpu.memory_space<hbm>>
        %dma_wait3A_230 = arith.constant 0 : i32
        %dma_wait3A_231 = tpu.memref_slice %arg3[%add3A_227, %dma_wait3A_230] : memref<2560x128xi32, #tpu.memory_space<hbm>> -> memref<1x128xi32, #tpu.memory_space<hbm>>
        tpu.wait_dma2 semaphore(%arg27 : memref<!tpu.dma_semaphore, #tpu.memory_space<semaphore_mem>>) src(%dma_wait3A_231 : memref<1x128xi32, #tpu.memory_space<hbm>>) dst(%arg10 : memref<1x128xi32, #tpu.memory_space<vmem>>)
        %add3A_232 = arith.addi %mul3A_0, %add3A_226 : i32
        %dma_wait3A_233 = arith.constant 0 : i32
        %dma_wait3A_234 = tpu.memref_slice %arg4[%add3A_232, %dma_wait3A_233] : memref<2560x128xi32, #tpu.memory_space<hbm>> -> memref<1x128xi32, #tpu.memory_space<hbm>>
        %dma_wait3A_235 = arith.constant 0 : i32
        %dma_wait3A_236 = tpu.memref_slice %arg4[%add3A_232, %dma_wait3A_235] : memref<2560x128xi32, #tpu.memory_space<hbm>> -> memref<1x128xi32, #tpu.memory_space<hbm>>
        tpu.wait_dma2 semaphore(%arg31 : memref<!tpu.dma_semaphore, #tpu.memory_space<semaphore_mem>>) src(%dma_wait3A_236 : memref<1x128xi32, #tpu.memory_space<hbm>>) dst(%arg14 : memref<1x128xi32, #tpu.memory_space<vmem>>)
        %dma_start3A_237 = arith.constant 0 : i32
        %dma_start3A_238 = arith.constant 0 : i32
        %dma_start3A_239 = tpu.memref_slice %arg10[%dma_start3A_237, %dma_start3A_238] : memref<1x128xi32, #tpu.memory_space<vmem>> -> memref<1x128xi32, #tpu.memory_space<vmem>>
        %dma_start3A_240 = tpu.memref_squeeze %dma_start3A_239 : memref<1x128xi32, #tpu.memory_space<vmem>> -> memref<128xi32, #tpu.memory_space<vmem>>
        %dma_start3A_241 = arith.constant 0 : i32
        %dma_start3A_242 = arith.constant 0 : i32
        %dma_start3A_243 = tpu.memref_slice %arg19[%dma_start3A_241, %dma_start3A_242] : memref<10240x64xf32, #tpu.memory_space<vmem_shared>> -> memref<10240x64xf32, #tpu.memory_space<vmem_shared>>
        tpu.enqueue_indirect_dma source(%dma_start3A_243 : memref<10240x64xf32, #tpu.memory_space<vmem_shared>>) target(%arg16 : memref<128x64xf32, #tpu.memory_space<vmem>>) offsets(%dma_start3A_240 : memref<128xi32, #tpu.memory_space<vmem>>) semaphore(%arg23 : memref<!tpu.dma_semaphore, #tpu.memory_space<semaphore_mem>>)
      } else {
      }
      %add3A_158 = arith.constant 4 : i32
      %add3A_159 = arith.addi %add3A_136, %add3A_158 : i32
      %lt3A_160 = arith.constant 160 : i32
      %lt3A_161 = arith.cmpi slt, %add3A_159, %lt3A_160 : i32
      %convert_element_type3A_162 = arith.extui %lt3A_161 : i1 to i32
      %cond3A_163 = arith.constant 0 : i32
      %cond3A_164 = arith.cmpi ne, %convert_element_type3A_162, %cond3A_163 : i32
      scf.if %cond3A_164 {
        %add3A_225 = arith.constant 4 : i32
        %add3A_226 = arith.addi %add3A_136, %add3A_225 : i32
        %add3A_227 = arith.addi %mul3A_0, %add3A_226 : i32
        %dma_start3A_228 = arith.constant 0 : i32
        %dma_start3A_229 = tpu.memref_slice %arg3[%add3A_227, %dma_start3A_228] : memref<2560x128xi32, #tpu.memory_space<hbm>> -> memref<1x128xi32, #tpu.memory_space<hbm>>
        %dma_start3A_230 = arith.constant 0 : i32
        %dma_start3A_231 = tpu.memref_slice %arg3[%add3A_227, %dma_start3A_230] : memref<2560x128xi32, #tpu.memory_space<hbm>> -> memref<1x128xi32, #tpu.memory_space<hbm>>
        tpu.enqueue_dma source(%dma_start3A_231 : memref<1x128xi32, #tpu.memory_space<hbm>>) target(%arg8 : memref<1x128xi32, #tpu.memory_space<vmem>>) target_semaphore(%arg25 : memref<!tpu.dma_semaphore, #tpu.memory_space<semaphore_mem>>)
        %add3A_232 = arith.addi %mul3A_0, %add3A_226 : i32
        %dma_start3A_233 = arith.constant 0 : i32
        %dma_start3A_234 = tpu.memref_slice %arg4[%add3A_232, %dma_start3A_233] : memref<2560x128xi32, #tpu.memory_space<hbm>> -> memref<1x128xi32, #tpu.memory_space<hbm>>
        %dma_start3A_235 = arith.constant 0 : i32
        %dma_start3A_236 = tpu.memref_slice %arg4[%add3A_232, %dma_start3A_235] : memref<2560x128xi32, #tpu.memory_space<hbm>> -> memref<1x128xi32, #tpu.memory_space<hbm>>
        tpu.enqueue_dma source(%dma_start3A_236 : memref<1x128xi32, #tpu.memory_space<hbm>>) target(%arg12 : memref<1x128xi32, #tpu.memory_space<vmem>>) target_semaphore(%arg29 : memref<!tpu.dma_semaphore, #tpu.memory_space<semaphore_mem>>)
      } else {
      }
      %add3A_165 = arith.constant 2 : i32
      %add3A_166 = arith.addi %mul3A_110, %add3A_165 : i32
      %dma_wait3A_167 = arith.constant 0 : i32
      %dma_wait3A_168 = arith.constant 0 : i32
      %dma_wait3A_169 = tpu.memref_slice %arg9[%dma_wait3A_167, %dma_wait3A_168] : memref<1x128xi32, #tpu.memory_space<vmem>> -> memref<1x128xi32, #tpu.memory_space<vmem>>
      %dma_wait3A_170 = tpu.memref_squeeze %dma_wait3A_169 : memref<1x128xi32, #tpu.memory_space<vmem>> -> memref<128xi32, #tpu.memory_space<vmem>>
      %dma_wait3A_171 = arith.constant 0 : i32
      %dma_wait3A_172 = arith.constant 0 : i32
      %dma_wait3A_173 = tpu.memref_slice %arg19[%dma_wait3A_171, %dma_wait3A_172] : memref<10240x64xf32, #tpu.memory_space<vmem_shared>> -> memref<10240x64xf32, #tpu.memory_space<vmem_shared>>
      tpu.wait_indirect_dma semaphore(%arg22 : memref<!tpu.dma_semaphore, #tpu.memory_space<semaphore_mem>>) src(%dma_wait3A_173 : memref<10240x64xf32, #tpu.memory_space<vmem_shared>>) dst(%arg15 : memref<128x64xf32, #tpu.memory_space<vmem>>)
      %run_scoped3A_174 = arith.constant 0 : i32
      "tpu.region"() ({
        %run_scoped3A_225 = tpu.sem_alloc : memref<!tpu.dma_semaphore, #tpu.memory_space<semaphore_mem>>
        %dma_start3A_226 = arith.constant 0 : i32
        %dma_start3A_227 = tpu.memref_slice %arg13[%run_scoped3A_174, %dma_start3A_226] : memref<1x128xi32, #tpu.memory_space<vmem>> -> memref<1x128xi32, #tpu.memory_space<vmem>>
        %dma_start3A_228 = tpu.memref_squeeze %dma_start3A_227 : memref<1x128xi32, #tpu.memory_space<vmem>> -> memref<128xi32, #tpu.memory_space<vmem>>
        %dma_start3A_229 = arith.constant 0 : i32
        %dma_start3A_230 = arith.constant 0 : i32
        %dma_start3A_231 = tpu.memref_slice %arg20[%dma_start3A_229, %dma_start3A_230] : memref<10240x64xf32, #tpu.memory_space<vmem_shared>> -> memref<10240x64xf32, #tpu.memory_space<vmem_shared>>
        tpu.enqueue_indirect_dma source(%arg15 : memref<128x64xf32, #tpu.memory_space<vmem>>) target(%dma_start3A_231 : memref<10240x64xf32, #tpu.memory_space<vmem_shared>>) offsets(%dma_start3A_228 : memref<128xi32, #tpu.memory_space<vmem>>) semaphore(%run_scoped3A_225 : memref<!tpu.dma_semaphore, #tpu.memory_space<semaphore_mem>>) {add = true}
        %dma_wait3A_232 = arith.constant 0 : i32
        %dma_wait3A_233 = tpu.memref_slice %arg13[%run_scoped3A_174, %dma_wait3A_232] : memref<1x128xi32, #tpu.memory_space<vmem>> -> memref<1x128xi32, #tpu.memory_space<vmem>>
        %dma_wait3A_234 = tpu.memref_squeeze %dma_wait3A_233 : memref<1x128xi32, #tpu.memory_space<vmem>> -> memref<128xi32, #tpu.memory_space<vmem>>
        %dma_wait3A_235 = arith.constant 0 : i32
        %dma_wait3A_236 = arith.constant 0 : i32
        %dma_wait3A_237 = tpu.memref_slice %arg20[%dma_wait3A_235, %dma_wait3A_236] : memref<10240x64xf32, #tpu.memory_space<vmem_shared>> -> memref<10240x64xf32, #tpu.memory_space<vmem_shared>>
        tpu.wait_indirect_dma semaphore(%run_scoped3A_225 : memref<!tpu.dma_semaphore, #tpu.memory_space<semaphore_mem>>) src(%arg15 : memref<128x64xf32, #tpu.memory_space<vmem>>) dst(%dma_wait3A_237 : memref<10240x64xf32, #tpu.memory_space<vmem_shared>>)
        tpu.yield
      }) : () -> ()
      %rem3A_175 = arith.constant 2 : i32
      %rem3A_176 = arith.remsi %add3A_166, %rem3A_175 : i32
      %eq3A_177 = arith.cmpi eq, %rem3A_176, %arg0 : i32
      %convert_element_type3A_178 = arith.extui %eq3A_177 : i1 to i32
      %cond3A_179 = arith.constant 0 : i32
      %cond3A_180 = arith.cmpi ne, %convert_element_type3A_178, %cond3A_179 : i32
      scf.if %cond3A_180 {
        %run_scoped3A_225 = arith.constant 0 : i32
        "tpu.region"() ({
          %run_scoped3A_226 = tpu.sem_alloc : memref<!tpu.dma_semaphore, #tpu.memory_space<semaphore_mem>>
          %dma_start3A_227 = arith.constant 0 : i32
          %dma_start3A_228 = tpu.memref_slice %arg13[%run_scoped3A_225, %dma_start3A_227] : memref<1x128xi32, #tpu.memory_space<vmem>> -> memref<1x128xi32, #tpu.memory_space<vmem>>
          %dma_start3A_229 = tpu.memref_squeeze %dma_start3A_228 : memref<1x128xi32, #tpu.memory_space<vmem>> -> memref<128xi32, #tpu.memory_space<vmem>>
          %dma_start3A_230 = arith.constant 0 : i32
          %dma_start3A_231 = arith.constant 0 : i32
          %dma_start3A_232 = tpu.memref_slice %arg21[%dma_start3A_230, %dma_start3A_231] : memref<10240x16xf32, #tpu.memory_space<vmem_shared>> -> memref<10240x16xf32, #tpu.memory_space<vmem_shared>>
          tpu.enqueue_indirect_dma source(%arg17 : memref<128x16xf32, #tpu.memory_space<vmem>>) target(%dma_start3A_232 : memref<10240x16xf32, #tpu.memory_space<vmem_shared>>) offsets(%dma_start3A_229 : memref<128xi32, #tpu.memory_space<vmem>>) semaphore(%run_scoped3A_226 : memref<!tpu.dma_semaphore, #tpu.memory_space<semaphore_mem>>) {add = true}
          %dma_wait3A_233 = arith.constant 0 : i32
          %dma_wait3A_234 = tpu.memref_slice %arg13[%run_scoped3A_225, %dma_wait3A_233] : memref<1x128xi32, #tpu.memory_space<vmem>> -> memref<1x128xi32, #tpu.memory_space<vmem>>
          %dma_wait3A_235 = tpu.memref_squeeze %dma_wait3A_234 : memref<1x128xi32, #tpu.memory_space<vmem>> -> memref<128xi32, #tpu.memory_space<vmem>>
          %dma_wait3A_236 = arith.constant 0 : i32
          %dma_wait3A_237 = arith.constant 0 : i32
          %dma_wait3A_238 = tpu.memref_slice %arg21[%dma_wait3A_236, %dma_wait3A_237] : memref<10240x16xf32, #tpu.memory_space<vmem_shared>> -> memref<10240x16xf32, #tpu.memory_space<vmem_shared>>
          tpu.wait_indirect_dma semaphore(%run_scoped3A_226 : memref<!tpu.dma_semaphore, #tpu.memory_space<semaphore_mem>>) src(%arg17 : memref<128x16xf32, #tpu.memory_space<vmem>>) dst(%dma_wait3A_238 : memref<10240x16xf32, #tpu.memory_space<vmem_shared>>)
          tpu.yield
        }) : () -> ()
      } else {
      }
      %add3A_181 = arith.constant 2 : i32
      %add3A_182 = arith.addi %add3A_166, %add3A_181 : i32
      %lt3A_183 = arith.constant 160 : i32
      %lt3A_184 = arith.cmpi slt, %add3A_182, %lt3A_183 : i32
      %convert_element_type3A_185 = arith.extui %lt3A_184 : i1 to i32
      %cond3A_186 = arith.constant 0 : i32
      %cond3A_187 = arith.cmpi ne, %convert_element_type3A_185, %cond3A_186 : i32
      scf.if %cond3A_187 {
        %add3A_225 = arith.constant 2 : i32
        %add3A_226 = arith.addi %add3A_166, %add3A_225 : i32
        %add3A_227 = arith.addi %mul3A_0, %add3A_226 : i32
        %dma_wait3A_228 = arith.constant 0 : i32
        %dma_wait3A_229 = tpu.memref_slice %arg3[%add3A_227, %dma_wait3A_228] : memref<2560x128xi32, #tpu.memory_space<hbm>> -> memref<1x128xi32, #tpu.memory_space<hbm>>
        %dma_wait3A_230 = arith.constant 0 : i32
        %dma_wait3A_231 = tpu.memref_slice %arg3[%add3A_227, %dma_wait3A_230] : memref<2560x128xi32, #tpu.memory_space<hbm>> -> memref<1x128xi32, #tpu.memory_space<hbm>>
        tpu.wait_dma2 semaphore(%arg24 : memref<!tpu.dma_semaphore, #tpu.memory_space<semaphore_mem>>) src(%dma_wait3A_231 : memref<1x128xi32, #tpu.memory_space<hbm>>) dst(%arg7 : memref<1x128xi32, #tpu.memory_space<vmem>>)
        %add3A_232 = arith.addi %mul3A_0, %add3A_226 : i32
        %dma_wait3A_233 = arith.constant 0 : i32
        %dma_wait3A_234 = tpu.memref_slice %arg4[%add3A_232, %dma_wait3A_233] : memref<2560x128xi32, #tpu.memory_space<hbm>> -> memref<1x128xi32, #tpu.memory_space<hbm>>
        %dma_wait3A_235 = arith.constant 0 : i32
        %dma_wait3A_236 = tpu.memref_slice %arg4[%add3A_232, %dma_wait3A_235] : memref<2560x128xi32, #tpu.memory_space<hbm>> -> memref<1x128xi32, #tpu.memory_space<hbm>>
        tpu.wait_dma2 semaphore(%arg28 : memref<!tpu.dma_semaphore, #tpu.memory_space<semaphore_mem>>) src(%dma_wait3A_236 : memref<1x128xi32, #tpu.memory_space<hbm>>) dst(%arg11 : memref<1x128xi32, #tpu.memory_space<vmem>>)
        %dma_start3A_237 = arith.constant 0 : i32
        %dma_start3A_238 = arith.constant 0 : i32
        %dma_start3A_239 = tpu.memref_slice %arg7[%dma_start3A_237, %dma_start3A_238] : memref<1x128xi32, #tpu.memory_space<vmem>> -> memref<1x128xi32, #tpu.memory_space<vmem>>
        %dma_start3A_240 = tpu.memref_squeeze %dma_start3A_239 : memref<1x128xi32, #tpu.memory_space<vmem>> -> memref<128xi32, #tpu.memory_space<vmem>>
        %dma_start3A_241 = arith.constant 0 : i32
        %dma_start3A_242 = arith.constant 0 : i32
        %dma_start3A_243 = tpu.memref_slice %arg19[%dma_start3A_241, %dma_start3A_242] : memref<10240x64xf32, #tpu.memory_space<vmem_shared>> -> memref<10240x64xf32, #tpu.memory_space<vmem_shared>>
        tpu.enqueue_indirect_dma source(%dma_start3A_243 : memref<10240x64xf32, #tpu.memory_space<vmem_shared>>) target(%arg15 : memref<128x64xf32, #tpu.memory_space<vmem>>) offsets(%dma_start3A_240 : memref<128xi32, #tpu.memory_space<vmem>>) semaphore(%arg22 : memref<!tpu.dma_semaphore, #tpu.memory_space<semaphore_mem>>)
      } else {
      }
      %add3A_188 = arith.constant 4 : i32
      %add3A_189 = arith.addi %add3A_166, %add3A_188 : i32
      %lt3A_190 = arith.constant 160 : i32
      %lt3A_191 = arith.cmpi slt, %add3A_189, %lt3A_190 : i32
      %convert_element_type3A_192 = arith.extui %lt3A_191 : i1 to i32
      %cond3A_193 = arith.constant 0 : i32
      %cond3A_194 = arith.cmpi ne, %convert_element_type3A_192, %cond3A_193 : i32
      scf.if %cond3A_194 {
        %add3A_225 = arith.constant 4 : i32
        %add3A_226 = arith.addi %add3A_166, %add3A_225 : i32
        %add3A_227 = arith.addi %mul3A_0, %add3A_226 : i32
        %dma_start3A_228 = arith.constant 0 : i32
        %dma_start3A_229 = tpu.memref_slice %arg3[%add3A_227, %dma_start3A_228] : memref<2560x128xi32, #tpu.memory_space<hbm>> -> memref<1x128xi32, #tpu.memory_space<hbm>>
        %dma_start3A_230 = arith.constant 0 : i32
        %dma_start3A_231 = tpu.memref_slice %arg3[%add3A_227, %dma_start3A_230] : memref<2560x128xi32, #tpu.memory_space<hbm>> -> memref<1x128xi32, #tpu.memory_space<hbm>>
        tpu.enqueue_dma source(%dma_start3A_231 : memref<1x128xi32, #tpu.memory_space<hbm>>) target(%arg9 : memref<1x128xi32, #tpu.memory_space<vmem>>) target_semaphore(%arg26 : memref<!tpu.dma_semaphore, #tpu.memory_space<semaphore_mem>>)
        %add3A_232 = arith.addi %mul3A_0, %add3A_226 : i32
        %dma_start3A_233 = arith.constant 0 : i32
        %dma_start3A_234 = tpu.memref_slice %arg4[%add3A_232, %dma_start3A_233] : memref<2560x128xi32, #tpu.memory_space<hbm>> -> memref<1x128xi32, #tpu.memory_space<hbm>>
        %dma_start3A_235 = arith.constant 0 : i32
        %dma_start3A_236 = tpu.memref_slice %arg4[%add3A_232, %dma_start3A_235] : memref<2560x128xi32, #tpu.memory_space<hbm>> -> memref<1x128xi32, #tpu.memory_space<hbm>>
        tpu.enqueue_dma source(%dma_start3A_236 : memref<1x128xi32, #tpu.memory_space<hbm>>) target(%arg13 : memref<1x128xi32, #tpu.memory_space<vmem>>) target_semaphore(%arg30 : memref<!tpu.dma_semaphore, #tpu.memory_space<semaphore_mem>>)
      } else {
      }
      %add3A_195 = arith.constant 3 : i32
      %add3A_196 = arith.addi %mul3A_110, %add3A_195 : i32
      %dma_wait3A_197 = arith.constant 0 : i32
      %dma_wait3A_198 = arith.constant 0 : i32
      %dma_wait3A_199 = tpu.memref_slice %arg10[%dma_wait3A_197, %dma_wait3A_198] : memref<1x128xi32, #tpu.memory_space<vmem>> -> memref<1x128xi32, #tpu.memory_space<vmem>>
      %dma_wait3A_200 = tpu.memref_squeeze %dma_wait3A_199 : memref<1x128xi32, #tpu.memory_space<vmem>> -> memref<128xi32, #tpu.memory_space<vmem>>
      %dma_wait3A_201 = arith.constant 0 : i32
      %dma_wait3A_202 = arith.constant 0 : i32
      %dma_wait3A_203 = tpu.memref_slice %arg19[%dma_wait3A_201, %dma_wait3A_202] : memref<10240x64xf32, #tpu.memory_space<vmem_shared>> -> memref<10240x64xf32, #tpu.memory_space<vmem_shared>>
      tpu.wait_indirect_dma semaphore(%arg23 : memref<!tpu.dma_semaphore, #tpu.memory_space<semaphore_mem>>) src(%dma_wait3A_203 : memref<10240x64xf32, #tpu.memory_space<vmem_shared>>) dst(%arg16 : memref<128x64xf32, #tpu.memory_space<vmem>>)
      %run_scoped3A_204 = arith.constant 0 : i32
      "tpu.region"() ({
        %run_scoped3A_225 = tpu.sem_alloc : memref<!tpu.dma_semaphore, #tpu.memory_space<semaphore_mem>>
        %dma_start3A_226 = arith.constant 0 : i32
        %dma_start3A_227 = tpu.memref_slice %arg14[%run_scoped3A_204, %dma_start3A_226] : memref<1x128xi32, #tpu.memory_space<vmem>> -> memref<1x128xi32, #tpu.memory_space<vmem>>
        %dma_start3A_228 = tpu.memref_squeeze %dma_start3A_227 : memref<1x128xi32, #tpu.memory_space<vmem>> -> memref<128xi32, #tpu.memory_space<vmem>>
        %dma_start3A_229 = arith.constant 0 : i32
        %dma_start3A_230 = arith.constant 0 : i32
        %dma_start3A_231 = tpu.memref_slice %arg20[%dma_start3A_229, %dma_start3A_230] : memref<10240x64xf32, #tpu.memory_space<vmem_shared>> -> memref<10240x64xf32, #tpu.memory_space<vmem_shared>>
        tpu.enqueue_indirect_dma source(%arg16 : memref<128x64xf32, #tpu.memory_space<vmem>>) target(%dma_start3A_231 : memref<10240x64xf32, #tpu.memory_space<vmem_shared>>) offsets(%dma_start3A_228 : memref<128xi32, #tpu.memory_space<vmem>>) semaphore(%run_scoped3A_225 : memref<!tpu.dma_semaphore, #tpu.memory_space<semaphore_mem>>) {add = true}
        %dma_wait3A_232 = arith.constant 0 : i32
        %dma_wait3A_233 = tpu.memref_slice %arg14[%run_scoped3A_204, %dma_wait3A_232] : memref<1x128xi32, #tpu.memory_space<vmem>> -> memref<1x128xi32, #tpu.memory_space<vmem>>
        %dma_wait3A_234 = tpu.memref_squeeze %dma_wait3A_233 : memref<1x128xi32, #tpu.memory_space<vmem>> -> memref<128xi32, #tpu.memory_space<vmem>>
        %dma_wait3A_235 = arith.constant 0 : i32
        %dma_wait3A_236 = arith.constant 0 : i32
        %dma_wait3A_237 = tpu.memref_slice %arg20[%dma_wait3A_235, %dma_wait3A_236] : memref<10240x64xf32, #tpu.memory_space<vmem_shared>> -> memref<10240x64xf32, #tpu.memory_space<vmem_shared>>
        tpu.wait_indirect_dma semaphore(%run_scoped3A_225 : memref<!tpu.dma_semaphore, #tpu.memory_space<semaphore_mem>>) src(%arg16 : memref<128x64xf32, #tpu.memory_space<vmem>>) dst(%dma_wait3A_237 : memref<10240x64xf32, #tpu.memory_space<vmem_shared>>)
        tpu.yield
      }) : () -> ()
      %rem3A_205 = arith.constant 2 : i32
      %rem3A_206 = arith.remsi %add3A_196, %rem3A_205 : i32
      %eq3A_207 = arith.cmpi eq, %rem3A_206, %arg0 : i32
      %convert_element_type3A_208 = arith.extui %eq3A_207 : i1 to i32
      %cond3A_209 = arith.constant 0 : i32
      %cond3A_210 = arith.cmpi ne, %convert_element_type3A_208, %cond3A_209 : i32
      scf.if %cond3A_210 {
        %run_scoped3A_225 = arith.constant 0 : i32
        "tpu.region"() ({
          %run_scoped3A_226 = tpu.sem_alloc : memref<!tpu.dma_semaphore, #tpu.memory_space<semaphore_mem>>
          %dma_start3A_227 = arith.constant 0 : i32
          %dma_start3A_228 = tpu.memref_slice %arg14[%run_scoped3A_225, %dma_start3A_227] : memref<1x128xi32, #tpu.memory_space<vmem>> -> memref<1x128xi32, #tpu.memory_space<vmem>>
          %dma_start3A_229 = tpu.memref_squeeze %dma_start3A_228 : memref<1x128xi32, #tpu.memory_space<vmem>> -> memref<128xi32, #tpu.memory_space<vmem>>
          %dma_start3A_230 = arith.constant 0 : i32
          %dma_start3A_231 = arith.constant 0 : i32
          %dma_start3A_232 = tpu.memref_slice %arg21[%dma_start3A_230, %dma_start3A_231] : memref<10240x16xf32, #tpu.memory_space<vmem_shared>> -> memref<10240x16xf32, #tpu.memory_space<vmem_shared>>
          tpu.enqueue_indirect_dma source(%arg17 : memref<128x16xf32, #tpu.memory_space<vmem>>) target(%dma_start3A_232 : memref<10240x16xf32, #tpu.memory_space<vmem_shared>>) offsets(%dma_start3A_229 : memref<128xi32, #tpu.memory_space<vmem>>) semaphore(%run_scoped3A_226 : memref<!tpu.dma_semaphore, #tpu.memory_space<semaphore_mem>>) {add = true}
          %dma_wait3A_233 = arith.constant 0 : i32
          %dma_wait3A_234 = tpu.memref_slice %arg14[%run_scoped3A_225, %dma_wait3A_233] : memref<1x128xi32, #tpu.memory_space<vmem>> -> memref<1x128xi32, #tpu.memory_space<vmem>>
          %dma_wait3A_235 = tpu.memref_squeeze %dma_wait3A_234 : memref<1x128xi32, #tpu.memory_space<vmem>> -> memref<128xi32, #tpu.memory_space<vmem>>
          %dma_wait3A_236 = arith.constant 0 : i32
          %dma_wait3A_237 = arith.constant 0 : i32
          %dma_wait3A_238 = tpu.memref_slice %arg21[%dma_wait3A_236, %dma_wait3A_237] : memref<10240x16xf32, #tpu.memory_space<vmem_shared>> -> memref<10240x16xf32, #tpu.memory_space<vmem_shared>>
          tpu.wait_indirect_dma semaphore(%run_scoped3A_226 : memref<!tpu.dma_semaphore, #tpu.memory_space<semaphore_mem>>) src(%arg17 : memref<128x16xf32, #tpu.memory_space<vmem>>) dst(%dma_wait3A_238 : memref<10240x16xf32, #tpu.memory_space<vmem_shared>>)
          tpu.yield
        }) : () -> ()
      } else {
      }
      %add3A_211 = arith.constant 2 : i32
      %add3A_212 = arith.addi %add3A_196, %add3A_211 : i32
      %lt3A_213 = arith.constant 160 : i32
      %lt3A_214 = arith.cmpi slt, %add3A_212, %lt3A_213 : i32
      %convert_element_type3A_215 = arith.extui %lt3A_214 : i1 to i32
      %cond3A_216 = arith.constant 0 : i32
      %cond3A_217 = arith.cmpi ne, %convert_element_type3A_215, %cond3A_216 : i32
      scf.if %cond3A_217 {
        %add3A_225 = arith.constant 2 : i32
        %add3A_226 = arith.addi %add3A_196, %add3A_225 : i32
        %add3A_227 = arith.addi %mul3A_0, %add3A_226 : i32
        %dma_wait3A_228 = arith.constant 0 : i32
        %dma_wait3A_229 = tpu.memref_slice %arg3[%add3A_227, %dma_wait3A_228] : memref<2560x128xi32, #tpu.memory_space<hbm>> -> memref<1x128xi32, #tpu.memory_space<hbm>>
        %dma_wait3A_230 = arith.constant 0 : i32
        %dma_wait3A_231 = tpu.memref_slice %arg3[%add3A_227, %dma_wait3A_230] : memref<2560x128xi32, #tpu.memory_space<hbm>> -> memref<1x128xi32, #tpu.memory_space<hbm>>
        tpu.wait_dma2 semaphore(%arg25 : memref<!tpu.dma_semaphore, #tpu.memory_space<semaphore_mem>>) src(%dma_wait3A_231 : memref<1x128xi32, #tpu.memory_space<hbm>>) dst(%arg8 : memref<1x128xi32, #tpu.memory_space<vmem>>)
        %add3A_232 = arith.addi %mul3A_0, %add3A_226 : i32
        %dma_wait3A_233 = arith.constant 0 : i32
        %dma_wait3A_234 = tpu.memref_slice %arg4[%add3A_232, %dma_wait3A_233] : memref<2560x128xi32, #tpu.memory_space<hbm>> -> memref<1x128xi32, #tpu.memory_space<hbm>>
        %dma_wait3A_235 = arith.constant 0 : i32
        %dma_wait3A_236 = tpu.memref_slice %arg4[%add3A_232, %dma_wait3A_235] : memref<2560x128xi32, #tpu.memory_space<hbm>> -> memref<1x128xi32, #tpu.memory_space<hbm>>
        tpu.wait_dma2 semaphore(%arg29 : memref<!tpu.dma_semaphore, #tpu.memory_space<semaphore_mem>>) src(%dma_wait3A_236 : memref<1x128xi32, #tpu.memory_space<hbm>>) dst(%arg12 : memref<1x128xi32, #tpu.memory_space<vmem>>)
        %dma_start3A_237 = arith.constant 0 : i32
        %dma_start3A_238 = arith.constant 0 : i32
        %dma_start3A_239 = tpu.memref_slice %arg8[%dma_start3A_237, %dma_start3A_238] : memref<1x128xi32, #tpu.memory_space<vmem>> -> memref<1x128xi32, #tpu.memory_space<vmem>>
        %dma_start3A_240 = tpu.memref_squeeze %dma_start3A_239 : memref<1x128xi32, #tpu.memory_space<vmem>> -> memref<128xi32, #tpu.memory_space<vmem>>
        %dma_start3A_241 = arith.constant 0 : i32
        %dma_start3A_242 = arith.constant 0 : i32
        %dma_start3A_243 = tpu.memref_slice %arg19[%dma_start3A_241, %dma_start3A_242] : memref<10240x64xf32, #tpu.memory_space<vmem_shared>> -> memref<10240x64xf32, #tpu.memory_space<vmem_shared>>
        tpu.enqueue_indirect_dma source(%dma_start3A_243 : memref<10240x64xf32, #tpu.memory_space<vmem_shared>>) target(%arg16 : memref<128x64xf32, #tpu.memory_space<vmem>>) offsets(%dma_start3A_240 : memref<128xi32, #tpu.memory_space<vmem>>) semaphore(%arg23 : memref<!tpu.dma_semaphore, #tpu.memory_space<semaphore_mem>>)
      } else {
      }
      %add3A_218 = arith.constant 4 : i32
      %add3A_219 = arith.addi %add3A_196, %add3A_218 : i32
      %lt3A_220 = arith.constant 160 : i32
      %lt3A_221 = arith.cmpi slt, %add3A_219, %lt3A_220 : i32
      %convert_element_type3A_222 = arith.extui %lt3A_221 : i1 to i32
      %cond3A_223 = arith.constant 0 : i32
      %cond3A_224 = arith.cmpi ne, %convert_element_type3A_222, %cond3A_223 : i32
      scf.if %cond3A_224 {
        %add3A_225 = arith.constant 4 : i32
        %add3A_226 = arith.addi %add3A_196, %add3A_225 : i32
        %add3A_227 = arith.addi %mul3A_0, %add3A_226 : i32
        %dma_start3A_228 = arith.constant 0 : i32
        %dma_start3A_229 = tpu.memref_slice %arg3[%add3A_227, %dma_start3A_228] : memref<2560x128xi32, #tpu.memory_space<hbm>> -> memref<1x128xi32, #tpu.memory_space<hbm>>
        %dma_start3A_230 = arith.constant 0 : i32
        %dma_start3A_231 = tpu.memref_slice %arg3[%add3A_227, %dma_start3A_230] : memref<2560x128xi32, #tpu.memory_space<hbm>> -> memref<1x128xi32, #tpu.memory_space<hbm>>
        tpu.enqueue_dma source(%dma_start3A_231 : memref<1x128xi32, #tpu.memory_space<hbm>>) target(%arg10 : memref<1x128xi32, #tpu.memory_space<vmem>>) target_semaphore(%arg27 : memref<!tpu.dma_semaphore, #tpu.memory_space<semaphore_mem>>)
        %add3A_232 = arith.addi %mul3A_0, %add3A_226 : i32
        %dma_start3A_233 = arith.constant 0 : i32
        %dma_start3A_234 = tpu.memref_slice %arg4[%add3A_232, %dma_start3A_233] : memref<2560x128xi32, #tpu.memory_space<hbm>> -> memref<1x128xi32, #tpu.memory_space<hbm>>
        %dma_start3A_235 = arith.constant 0 : i32
        %dma_start3A_236 = tpu.memref_slice %arg4[%add3A_232, %dma_start3A_235] : memref<2560x128xi32, #tpu.memory_space<hbm>> -> memref<1x128xi32, #tpu.memory_space<hbm>>
        tpu.enqueue_dma source(%dma_start3A_236 : memref<1x128xi32, #tpu.memory_space<hbm>>) target(%arg14 : memref<1x128xi32, #tpu.memory_space<vmem>>) target_semaphore(%arg31 : memref<!tpu.dma_semaphore, #tpu.memory_space<semaphore_mem>>)
      } else {
      }
    }
    %scan3A_99 = arith.constant 40 : i32
    %barrier3A_100 = arith.constant 0 : index
    tpu.barrier barrier_id(%barrier3A_100)
    %mul3A_101 = arith.constant 10240 : i32
    %mul3A_102 = arith.muli %arg0, %mul3A_101 : i32
    %add3A_103 = arith.addi %mul3A_102, %mul3A_6 : i32
    "tpu.region"() ({
      %run_scoped3A = tpu.sem_alloc : memref<!tpu.dma_semaphore, #tpu.memory_space<semaphore_mem>>
      %dma_start3A_104 = arith.constant 0 : i32
      %dma_start3A_105 = tpu.memref_slice %arg5[%add3A_103, %dma_start3A_104] : memref<20480x64xf32, #tpu.memory_space<hbm>> -> memref<640x64xf32, #tpu.memory_space<hbm>>
      %dma_start3A_106 = arith.constant 0 : i32
      %dma_start3A_107 = tpu.memref_slice %arg20[%mul3A_6, %dma_start3A_106] : memref<10240x64xf32, #tpu.memory_space<vmem_shared>> -> memref<640x64xf32, #tpu.memory_space<vmem_shared>>
      tpu.enqueue_dma source(%dma_start3A_107 : memref<640x64xf32, #tpu.memory_space<vmem_shared>>) target(%dma_start3A_105 : memref<640x64xf32, #tpu.memory_space<hbm>>) target_semaphore(%run_scoped3A : memref<!tpu.dma_semaphore, #tpu.memory_space<semaphore_mem>>)
      %dma_wait3A_108 = arith.constant 0 : i32
      %dma_wait3A_109 = tpu.memref_slice %arg5[%add3A_103, %dma_wait3A_108] : memref<20480x64xf32, #tpu.memory_space<hbm>> -> memref<640x64xf32, #tpu.memory_space<hbm>>
      %dma_wait3A_110 = arith.constant 0 : i32
      %dma_wait3A_111 = tpu.memref_slice %arg20[%mul3A_6, %dma_wait3A_110] : memref<10240x64xf32, #tpu.memory_space<vmem_shared>> -> memref<640x64xf32, #tpu.memory_space<vmem_shared>>
      tpu.wait_dma2 semaphore(%run_scoped3A : memref<!tpu.dma_semaphore, #tpu.memory_space<semaphore_mem>>) src(%dma_wait3A_111 : memref<640x64xf32, #tpu.memory_space<vmem_shared>>) dst(%dma_wait3A_109 : memref<640x64xf32, #tpu.memory_space<hbm>>)
      tpu.yield
    }) : () -> ()
    "tpu.region"() ({
      %run_scoped3A = tpu.sem_alloc : memref<!tpu.dma_semaphore, #tpu.memory_space<semaphore_mem>>
      %dma_start3A_104 = arith.constant 0 : i32
      %dma_start3A_105 = tpu.memref_slice %arg6[%add3A_103, %dma_start3A_104] : memref<20480x16xf32, #tpu.memory_space<hbm>> -> memref<640x16xf32, #tpu.memory_space<hbm>>
      %dma_start3A_106 = arith.constant 0 : i32
      %dma_start3A_107 = tpu.memref_slice %arg21[%mul3A_6, %dma_start3A_106] : memref<10240x16xf32, #tpu.memory_space<vmem_shared>> -> memref<640x16xf32, #tpu.memory_space<vmem_shared>>
      tpu.enqueue_dma source(%dma_start3A_107 : memref<640x16xf32, #tpu.memory_space<vmem_shared>>) target(%dma_start3A_105 : memref<640x16xf32, #tpu.memory_space<hbm>>) target_semaphore(%run_scoped3A : memref<!tpu.dma_semaphore, #tpu.memory_space<semaphore_mem>>)
      %dma_wait3A_108 = arith.constant 0 : i32
      %dma_wait3A_109 = tpu.memref_slice %arg6[%add3A_103, %dma_wait3A_108] : memref<20480x16xf32, #tpu.memory_space<hbm>> -> memref<640x16xf32, #tpu.memory_space<hbm>>
      %dma_wait3A_110 = arith.constant 0 : i32
      %dma_wait3A_111 = tpu.memref_slice %arg21[%mul3A_6, %dma_wait3A_110] : memref<10240x16xf32, #tpu.memory_space<vmem_shared>> -> memref<640x16xf32, #tpu.memory_space<vmem_shared>>
      tpu.wait_dma2 semaphore(%run_scoped3A : memref<!tpu.dma_semaphore, #tpu.memory_space<semaphore_mem>>) src(%dma_wait3A_111 : memref<640x16xf32, #tpu.memory_space<vmem_shared>>) dst(%dma_wait3A_109 : memref<640x16xf32, #tpu.memory_space<hbm>>)
      tpu.yield
    }) : () -> ()
    return
  }
}

module attributes {stable_mosaic.version = 14 : i64} {
  func.func @body(%arg0: i32, %arg1: memref<1024x128xf32, #tpu.memory_space<vmem>>, %arg2: memref<128x128xf32, #tpu.memory_space<vmem>>, %arg3: memref<1x128xf32, #tpu.memory_space<vmem>>, %arg4: memref<2x1024x64xf32, #tpu.memory_space<vmem>>) attributes {dimension_semantics = [#tpu.dimension_semantics<arbitrary>], iteration_bounds = array<i64: 10>, scalar_prefetch = 0 : i64, scratch_operands = 0 : i64, tpu.core_type = #tpu.core_type<tc>, window_params = [{transform_indices = @transform_0, window_bounds = array<i64: 1024, 128>}, {pipeline_mode = #tpu.pipeline_mode<synchronous>, transform_indices = @transform_1, window_bounds = array<i64: 128, 128>}, {pipeline_mode = #tpu.pipeline_mode<synchronous>, transform_indices = @transform_2, window_bounds = array<i64: 1, 128>}, {transform_indices = @transform_3, window_bounds = array<i64: 2, 1024, 64>}]} {
    %get3A = arith.constant 0 : index
    %get3A_0 = arith.constant 0 : index
    %get3A_1 = vector.load %arg1[%get3A, %get3A_0] : memref<1024x128xf32, #tpu.memory_space<vmem>>, vector<1024x128xf32>
    %get3A_2 = arith.constant 0 : index
    %get3A_3 = arith.constant 0 : index
    %get3A_4 = vector.load %arg2[%get3A_2, %get3A_3] : memref<128x128xf32, #tpu.memory_space<vmem>>, vector<128x128xf32>
    %dot_general3A = arith.constant dense<0.000000e+00> : vector<1024x128xf32>
    %dot_general3A_5 = tpu.matmul %get3A_1, %get3A_4, %dot_general3A {dimension_numbers = #tpu.dot_dimension_numbers<[1], [1], [0], [0], [0, 0, 1, 0], [], []>, precision = #tpu.contract_precision<fp32>, transpose_lhs_hint = false} : vector<1024x128xf32>, vector<128x128xf32>, vector<1024x128xf32> -> vector<1024x128xf32>
    %get3A_6 = arith.constant 0 : index
    %get3A_7 = arith.constant 0 : index
    %get3A_8 = vector.load %arg3[%get3A_6, %get3A_7] : memref<1x128xf32, #tpu.memory_space<vmem>>, vector<1x128xf32>
    %add3A = vector.broadcast %get3A_8 : vector<1x128xf32> to vector<1024x128xf32>
    %add3A_9 = arith.addf %dot_general3A_5, %add3A : vector<1024x128xf32>
    %slice3A = vector.extract_strided_slice %add3A_9 {offsets = [0, 0], sizes = [1024, 64], strides = [1, 1]} : vector<1024x128xf32> to vector<1024x64xf32>
    %swap3A = arith.constant 0 : index
    %swap3A_10 = arith.constant 0 : index
    %swap3A_11 = arith.constant 0 : index
    %swap3A_12 = vector.load %arg4[%swap3A, %swap3A_10, %swap3A_11] : memref<2x1024x64xf32, #tpu.memory_space<vmem>>, vector<1x1024x64xf32>
    %swap3A_13 = vector.shape_cast %swap3A_12 : vector<1x1024x64xf32> to vector<1024x64xf32>
    %swap3A_14 = vector.shape_cast %slice3A : vector<1024x64xf32> to vector<1x1024x64xf32>
    tpu.vector_store %arg4[%swap3A, %swap3A_10, %swap3A_11], %swap3A_14 {strides = array<i32>} : memref<2x1024x64xf32, #tpu.memory_space<vmem>>, vector<1x1024x64xf32>,
    %slice3A_15 = vector.extract_strided_slice %add3A_9 {offsets = [0, 64], sizes = [1024, 64], strides = [1, 1]} : vector<1024x128xf32> to vector<1024x64xf32>
    %swap3A_16 = arith.constant 1 : index
    %swap3A_17 = arith.constant 0 : index
    %swap3A_18 = arith.constant 0 : index
    %swap3A_19 = vector.load %arg4[%swap3A_16, %swap3A_17, %swap3A_18] : memref<2x1024x64xf32, #tpu.memory_space<vmem>>, vector<1x1024x64xf32>
    %swap3A_20 = vector.shape_cast %swap3A_19 : vector<1x1024x64xf32> to vector<1024x64xf32>
    %swap3A_21 = vector.shape_cast %slice3A_15 : vector<1024x64xf32> to vector<1x1024x64xf32>
    tpu.vector_store %arg4[%swap3A_16, %swap3A_17, %swap3A_18], %swap3A_21 {strides = array<i32>} : memref<2x1024x64xf32, #tpu.memory_space<vmem>>, vector<1x1024x64xf32>,
    return
  }
  func.func @transform_0(%arg0: i32) -> (i32, i32) {
    %c0_i32 = arith.constant 0 : i32
    %c0_i32_0 = arith.constant 0 : i32
    return %arg0, %c0_i32 : i32, i32
  }
  func.func @transform_1(%arg0: i32) -> (i32, i32) {
    %c0_i32 = arith.constant 0 : i32
    %c0_i32_0 = arith.constant 0 : i32
    %c0_i32_1 = arith.constant 0 : i32
    return %c0_i32, %c0_i32_0 : i32, i32
  }
  func.func @transform_2(%arg0: i32) -> (i32, i32) {
    %c0_i32 = arith.constant 0 : i32
    %c0_i32_0 = arith.constant 0 : i32
    %c0_i32_1 = arith.constant 0 : i32
    return %c0_i32, %c0_i32_0 : i32, i32
  }
  func.func @transform_3(%arg0: i32) -> (i32, i32, i32) {
    %c0_i32 = arith.constant 0 : i32
    %c0_i32_0 = arith.constant 0 : i32
    %c0_i32_1 = arith.constant 0 : i32
    return %c0_i32, %arg0, %c0_i32_0 : i32, i32, i32
  }
}

module attributes {stable_mosaic.version = 14 : i64} {
  func.func @body(%arg0: i32, %arg1: memref<2x2000x64xf32, #tpu.memory_space<vmem>>, %arg2: memref<2x2000x16xf32, #tpu.memory_space<vmem>>, %arg3: memref<2000x128xf32, #tpu.memory_space<vmem>>) attributes {dimension_semantics = [#tpu.dimension_semantics<arbitrary>], iteration_bounds = array<i64: 5>, scalar_prefetch = 0 : i64, scratch_operands = 0 : i64, tpu.core_type = #tpu.core_type<tc>, window_params = [{transform_indices = @transform_0, window_bounds = array<i64: 2, 2000, 64>}, {transform_indices = @transform_1, window_bounds = array<i64: 2, 2000, 16>}, {transform_indices = @transform_2, window_bounds = array<i64: 2000, 128>}]} {
    %get3A = arith.constant 0 : index
    %get3A_0 = arith.constant 0 : index
    %get3A_1 = arith.constant 0 : index
    %get3A_2 = vector.load %arg2[%get3A, %get3A_0, %get3A_1] : memref<2x2000x16xf32, #tpu.memory_space<vmem>>, vector<1x2000x1xf32>
    %get3A_3 = vector.shape_cast %get3A_2 : vector<1x2000x1xf32> to vector<2000x1xf32>
    %get3A_4 = arith.constant 1 : index
    %get3A_5 = arith.constant 0 : index
    %get3A_6 = arith.constant 0 : index
    %get3A_7 = vector.load %arg2[%get3A_4, %get3A_5, %get3A_6] : memref<2x2000x16xf32, #tpu.memory_space<vmem>>, vector<1x2000x1xf32>
    %get3A_8 = vector.shape_cast %get3A_7 : vector<1x2000x1xf32> to vector<2000x1xf32>
    %add3A = arith.addf %get3A_3, %get3A_8 : vector<2000x1xf32>
    %max3A = arith.constant 1.000000e+00 : f32
    %max3A_9 = vector.broadcast %max3A : f32 to vector<2000x1xf32>
    %max3A_10 = arith.maximumf %add3A, %max3A_9 : vector<2000x1xf32>
    %get3A_11 = arith.constant 0 : index
    %get3A_12 = arith.constant 0 : index
    %get3A_13 = arith.constant 0 : index
    %get3A_14 = vector.load %arg1[%get3A_11, %get3A_12, %get3A_13] : memref<2x2000x64xf32, #tpu.memory_space<vmem>>, vector<1x2000x64xf32>
    %get3A_15 = vector.shape_cast %get3A_14 : vector<1x2000x64xf32> to vector<2000x64xf32>
    %get3A_16 = arith.constant 1 : index
    %get3A_17 = arith.constant 0 : index
    %get3A_18 = arith.constant 0 : index
    %get3A_19 = vector.load %arg1[%get3A_16, %get3A_17, %get3A_18] : memref<2x2000x64xf32, #tpu.memory_space<vmem>>, vector<1x2000x64xf32>
    %get3A_20 = vector.shape_cast %get3A_19 : vector<1x2000x64xf32> to vector<2000x64xf32>
    %concatenate3A = tpu.concatenate %get3A_15, %get3A_20 in 1 : vector<2000x64xf32>, vector<2000x64xf32> -> vector<2000x128xf32>
    %div3A = vector.broadcast %max3A_10 : vector<2000x1xf32> to vector<2000x128xf32>
    %div3A_21 = arith.divf %concatenate3A, %div3A : vector<2000x128xf32>
    %swap3A = arith.constant 0 : index
    %swap3A_22 = arith.constant 0 : index
    %swap3A_23 = vector.load %arg3[%swap3A, %swap3A_22] : memref<2000x128xf32, #tpu.memory_space<vmem>>, vector<2000x128xf32>
    tpu.vector_store %arg3[%swap3A, %swap3A_22], %div3A_21 {strides = array<i32>} : memref<2000x128xf32, #tpu.memory_space<vmem>>, vector<2000x128xf32>,
    return
  }
  func.func @transform_0(%arg0: i32) -> (i32, i32, i32) {
    %c0_i32 = arith.constant 0 : i32
    %c0_i32_0 = arith.constant 0 : i32
    %c0_i32_1 = arith.constant 0 : i32
    return %c0_i32, %arg0, %c0_i32_0 : i32, i32, i32
  }
  func.func @transform_1(%arg0: i32) -> (i32, i32, i32) {
    %c0_i32 = arith.constant 0 : i32
    %c0_i32_0 = arith.constant 0 : i32
    %c0_i32_1 = arith.constant 0 : i32
    return %c0_i32, %arg0, %c0_i32_0 : i32, i32, i32
  }
  func.func @transform_2(%arg0: i32) -> (i32, i32) {
    %c0_i32 = arith.constant 0 : i32
    %c0_i32_0 = arith.constant 0 : i32
    return %arg0, %c0_i32 : i32, i32
  }
}

</mosaic_0001>

<sc_bundles>
// kernel: kernel.5.cloned.1.call-start
scs
__scs_entry_jumppad:
0x0: {  	(pc) =	sbr.rel $0x88, $3  }
0x1: {  	(tag) =	ssettag $0x0;
	lr =	simm.s32 $0x1  }
0x2: {  	[smem:$0x3F9D] =	sst lr;
	_ =	strace $0xD0000000  }
0x3: {  	_ = 	snop  }
0x4: {  	_ = 	snop  }
0x5: {  	_ = 	snop  }
0x6: {  	_ = 	snop  }
0x7: {  	_ = 	snop  }
__scs_overlays_trampoline_lowered:
0x8: {  	[smem:$0x3FAC] =	sst s0  }
0x9: {  	[smem:$0x3FAD] =	sst s1  }
0xa: {  	[smem:$0x3FAE] =	sst s2  }
0xb: {  	[smem:$0x3FAF] =	sst s3  }
0xc: {  	[smem:$0x3FB0] =	sst s4  }
0xd: {  	[smem:$0x3FB1] =	sst s5  }
0xe: {  	[smem:$0x3FB2] =	sst s6  }
0xf: {  	[smem:$0x3FB3] =	sst s7  }
0x10: {  	[smem:$0x3FB4] =	sst s8  }
0x11: {  	[smem:$0x3FB5] =	sst s9;
	s0 =	simm.s32 @!p0 $0x0  }
0x12: {  	s1 =	sld [smem:$0x3F9B];
	s0 =	simm.s32 @p0 $0x1  }
0x13: {  	[smem:$0x3FB6] =	sst s0;
	s0 =	simm.s32 @!p1 $0x0  }
0x14: {  	s2 =	sld [smem:$0x3F9A];
	s0 =	simm.s32 @p1 $0x1  }
0x15: {  	[smem:$0x3FB7] =	sst s0;
	s0 =	simm.s32 @!p2 $0x0  }
0x16: {  	s3 =	sld [smem:$0x3FDB];
	s0 =	simm.s32 @p2 $0x1  }
0x17: {  	s4 =	simm.s32 $0x1BF5;
	[smem:$0x3FB9] =	sst s0  }
0x18: {  	s0 =	sld [smem:$0x3F9C];
	_ =	swait.ge [sflag:s4], $0x0  }
0x19: {  	s7 =	sld [smem:$0x3F9D]  }
0x1a: {  	s8 =	sadd.s32 $0xFFFFE003, lr  }
0x1b: {  	s9 =	sadd.s32 $0xFFFFFEF7, lr;
	s5 =	simm.s32 $0xFFFFFFFF;
	p2 =	slt.u32 s8, $0xFFFFF086  }
0x1c: {  	p1 =	slt.u32 s9, $0xF7A;
	s5 =	simm.s32 @!p2 $0x0  }
0x1d: {  	s5 =	simm.s32 @p1 $0x1;
	p0 =	seq.s32 s7, s2  }
0x1e: {  	s7 =	smul.u32 @!p0 $0xF7A, s2;
	p2 =	seq.s32 @!p0 s5, $0x0  }
0x1f: {  	s9 =	smul.u32 $0xF7A, s1;
	s8 =	simm.s32 @!p0 $0x1BF5;
	p2 =	por !p2, p0  }
0x20: {  	[sflag:s8] =	ssyncset.s32 @!p0 $0xFFFFF086;
	s6 =	sadd.s32 @!p0 s3, s7;
	s7 =	simm.s32 @!p0 $0x108  }
0x21: {  	s3 =	sadd.s32 s3, s9;
	s6 =	sadd.s32 @!p0 $0x88, s6;
	s7 =	simm.s32 @p2 $0x1082  }
0x22: {  	[simem:s7], [sflag:s8] =	dma.local @!p0 [hbm:s6], $0xF7A  }
0x23: {  	s9 =	sor.u32 $0xD0000000, s2;
	s6 =	simm.s32 $0x108;
	_ =	swait.ge @!p0 [sflag:s8], $0x0  }
0x24: {  	s3 =	sadd.s32 $0x88, s3;
	s6 =	simm.s32 @!p1 $0x1082;
	[sflag:s4] =	ssyncset.s32 $0xFFFFF086  }
0x25: {  	[simem:s6], [sflag:s4] =	dma.local [hbm:s3], $0xF7A  }
0x26: {  	[smem:$0x3F9D] =	sst s1;
	(tag) =	ssettag s2;
	_ =	strace s9  }
0x27: {  	s1 =	sld [smem:$0x3FAD]  }
0x28: {  	s2 =	sld [smem:$0x3FAE]  }
0x29: {  	s4 =	sld [smem:$0x3FB0]  }
0x2a: {  	p0 =	seq.s32 s5, $0x0;
	s5 =	sld [smem:$0x3FB1]  }
0x2b: {  	s6 =	sld [smem:$0x3FB2]  }
0x2c: {  	s7 =	sld [smem:$0x3FB3]  }
0x2d: {  	s3 =	simm.s32 $0x108;
	s8 =	sld [smem:$0x3FB4]  }
0x2e: {  	s3 =	simm.s32 @!p0 $0x1082;
	s9 =	sld [smem:$0x3FB5]  }
0x2f: {  	lr =	sadd.s32 s0, s3;
	s0 =	sld [smem:$0x3FAC]  }
0x30: {  	s3 =	sld [smem:$0x3FAF]  }
0x31: {  	[smem:$0x3FB8] =	sst s10  }
0x32: {  	s10 =	sld [smem:$0x3FB6];
	_ =	sdelay $0x3  }
0x33: {  	p0 =	seq.s32 s10, $0x1;
	s10 =	sld [smem:$0x3FB8];
	_ =	sdelay $0x3  }
0x34: {  	[smem:$0x3FB8] =	sst s10  }
0x35: {  	s10 =	sld [smem:$0x3FB7];
	_ =	sdelay $0x3  }
0x36: {  	p1 =	seq.s32 s10, $0x1;
	s10 =	sld [smem:$0x3FB8];
	_ =	sdelay $0x3  }
0x37: {  	[smem:$0x3FB8] =	sst s10  }
0x38: {  	s10 =	sld [smem:$0x3FB9]  }
0x39: {  	_ = 	snop;
	(pc) =	sbr.ind lr, $3  }
0x3a: {  	_ = 	snop  }
0x3b: {  	_ = 	snop  }
0x3c: {  	p2 =	seq.s32 s10, $0x1;
	s10 =	sld [smem:$0x3FB8]  }
0x3d: {  	_ =	shalt  }
0x3e: {  	_ =	shalt  }
0x3f: {  	_ =	shalt  }
0x40: {  	_ =	shalt  }
0x41: {  	_ =	shalt  }
0x42: {  	_ =	shalt  }
0x43: {  	_ =	shalt  }
0x44: {  	_ =	shalt  }
0x45: {  	_ =	shalt  }
0x46: {  	_ =	shalt  }
0x47: {  	_ =	shalt  }
0x48: {  	_ =	shalt  }
0x49: {  	_ =	shalt  }
0x4a: {  	_ =	shalt  }
0x4b: {  	_ =	shalt  }
0x4c: {  	_ =	shalt  }
0x4d: {  	_ =	shalt  }
0x4e: {  	_ =	shalt  }
0x4f: {  	_ =	shalt  }
0x50: {  	_ =	shalt  }
0x51: {  	_ =	shalt  }
0x52: {  	_ =	shalt  }
0x53: {  	_ =	shalt  }
0x54: {  	_ =	shalt  }
0x55: {  	_ =	shalt  }
0x56: {  	_ =	shalt  }
0x57: {  	_ =	shalt  }
0x58: {  	_ =	shalt  }
0x59: {  	_ =	shalt  }
0x5a: {  	_ =	shalt  }
0x5b: {  	_ =	shalt  }
0x5c: {  	_ =	shalt  }
0x5d: {  	_ =	shalt  }
0x5e: {  	_ =	shalt  }
0x5f: {  	_ =	shalt  }
0x60: {  	_ =	shalt  }
0x61: {  	_ =	shalt  }
0x62: {  	_ =	shalt  }
0x63: {  	_ =	shalt  }
0x64: {  	_ =	shalt  }
0x65: {  	_ =	shalt  }
0x66: {  	_ =	shalt  }
0x67: {  	_ =	shalt  }
0x68: {  	_ =	shalt  }
0x69: {  	_ =	shalt  }
0x6a: {  	_ =	shalt  }
0x6b: {  	_ =	shalt  }
0x6c: {  	_ =	shalt  }
0x6d: {  	_ =	shalt  }
0x6e: {  	_ =	shalt  }
0x6f: {  	_ =	shalt  }
0x70: {  	_ =	shalt  }
0x71: {  	_ =	shalt  }
0x72: {  	_ =	shalt  }
0x73: {  	_ =	shalt  }
0x74: {  	_ =	shalt  }
0x75: {  	_ =	shalt  }
0x76: {  	_ =	shalt  }
0x77: {  	_ =	shalt  }
0x78: {  	_ =	shalt  }
0x79: {  	_ =	shalt  }
0x7a: {  	_ =	shalt  }
0x7b: {  	_ =	shalt  }
0x7c: {  	_ =	shalt  }
0x7d: {  	_ =	shalt  }
0x7e: {  	_ =	shalt  }
0x7f: {  	_ =	shalt  }
0x80: {  	_ =	shalt  }
0x81: {  	_ =	shalt  }
0x82: {  	_ =	shalt  }
0x83: {  	_ =	shalt  }
0x84: {  	_ =	shalt  }
0x85: {  	_ =	shalt  }
0x86: {  	_ =	shalt  }
0x87: {  	_ =	shalt  }
.Lfunc_end0:
.L_simem_size_0:
called_computation_lowered:
.L_overlay_start_0:
0x88: {  	s2 =	sld [smem:$0x3FD9]  }
0x89: {  	s3 =	sld [smem:$0x3FFE];
	_ =	sdelay $0x1  }
0x8a: {  	s1 =	srdreg.scid  }
0x8b: {  	s0 =	sand.u32 $0x1, s1  }
0x8c: {  	s17 =	sshll.u32 s0, $0xA;
	s2 =	sadd.s32 s3, s2  }
0x8d: {  	s2 =	sadd.s32 s2, s17  }
0x8e: {  	[smem:$0x3FC4] =	sst s2  }
0x8f: {  	_ = 	snop  }
0x90: {  	s2 =	sld [smem:$0x3FD0];
	(tm) =	ssettm $0x1  }
0x91: {  	s18 =	sld [smem:$0x3FFB];
	_ =	sdelay $0x3  }
0x92: {  	_ =	strace s18  }
0x93: {  	s3 =	sld [smem:$0x3FFC];
	_ =	sdelay $0x3  }
0x94: {  	_ =	strace s3  }
0x95: {  	s3 =	sld [smem:$0x3FFD];
	_ =	sdelay $0x3  }
0x96: {  	_ =	strace s3  }
0x97: {  	_ =	strace $0x8FFFFFFF  }
0x98: {  	s19 =	sld [smem:$0x3FDB];
	_ =	sdelay $0x1  }
0x99: {  	s4 =	simm.s32 $_scs_section_size  }
0x9a: {  	s5 =	simm.s32 $_size__tile_overlayer_lowered;
	s6 =	simm.s32 $_tile_overlayer_lowered  }
0x9b: {  	s22 =	simm.s32 $0x1BFF;
	s21 =	sshll.u32 s6, $0x1;
	s3 =	sadd.s32 s4, s19  }
0x9c: {  	s7 =	simm.s32 $0x0;
	s20 =	sshll.u32 s5, $0x1;
	s5 =	sadd.s32 s21, s3  }
0x9d: {  	[timem:s7], [sflag:s22] =	dma.local [hbm:s5], s20  }
0x9e: {  	_ =	swait.ge [sflag:s22], s20  }
0x9f: {  	s4 =	ssub.s32 $0x0, s20;
	[sflag:s22] =	ssyncset.done $0x0  }
0xa0: {  	[sflag:s22] =	ssyncadd.s32 s4;
	_ =	sdelay $0x1  }
0xa1: {  	s23 =	simm.s32 $0x1B8B  }
0xa2: {  	_ =	swait.ge [sflag:s23], $0x1  }
0xa3: {  	[sflag:s23] =	ssyncset.done $0x0  }
0xa4: {  	s25 =	simm.s32 $0x1B8E;
	s24 =	sld [smem:$0x3FFE];
	[sflag:s23] =	ssyncadd.s32 $0xFFFFFFFF  }
0xa5: {  	s26 =	simm.s32 $execute0_lowered;
	[smem:$0x3FD2] =	sst s25  }
0xa6: {  	s5 =	sshll.u32 s26, $0x1;
	_ =	strace $0x80000046;
	[dreg:$0x1] =	wrdreg $0xFFFFFFFF  }
0xa7: {  	s28 =	simm.s32 $_size_execute0_lowered;
	s3 =	sadd.s32 s3, s5;
	[dreg:$0x0] =	wrdreg $0x0  }
0xa8: {  	s5 =	sshll.u32 s28, $0x1;
	[dreg:$0x2] =	wrdreg s3  }
0xa9: {  	[dreg:$0x3] =	wrdreg s5  }
0xaa: {  	[dreg:$0x4] =	wrdreg $0xC0  }
0xab: {  	_ =	task [dreg:s7], $0x5FFFF  }
0xac: {  	[dreg:$0x1] =	wrdreg $0xFFFFFFFF  }
0xad: {  	[dreg:$0x0] =	wrdreg $0x60  }
0xae: {  	[dreg:$0x2] =	wrdreg s24  }
0xaf: {  	[dreg:$0x3] =	wrdreg s2  }
0xb0: {  	[dreg:$0x4] =	wrdreg $0x54000  }
0xb1: {  	[dreg:$0x5] =	wrdreg $0xF4000  }
0xb2: {  	[dreg:$0x6] =	wrdreg $0x194000  }
0xb3: {  	[dreg:$0x7] =	wrdreg $0x9  }
0xb4: {  	_ =	task.clear_ibuf [dreg:s7], $0x8FFFF;
	_ =	strace $0x90000046  }
0xb5: {  	s29 =	simm.s32 $0x9;
	_ =	strace $0x80000048  }
0xb6: {  	_ =	swait.ge [sflag:s29], $0x1  }
0xb7: {  	[sflag:s29] =	ssyncadd.s32 $0xFFFFFFFF  }
0xb8: {  	_ =	strace $0x90000048  }
0xb9: {  	_ =	sfence  }
0xba: {  	s30 =	sld [smem:$0x0];
	_ =	sdelay $0x2  }
0xbb: {  	s31 =	sshll.u32 s1, $0xD;
	s1 =	sshrl.u32 s1, $0x2  }
0xbc: {  	s3 =	sand.u32 $0x4000, s31;
	s1 =	sadd.s32 s1, s30  }
0xbd: {  	s0 =	sor.u32 s3, s0;
	s1 =	sshll.u32 s1, $0x11  }
0xbe: {  	s0 =	sor.u32 s1, s0  }
0xbf: {  	s0 =	sadd.s32 $0x8F2B, s0  }
0xc0: {  	[sflag:s0] =	ssyncadd.remote.s32 $0x1  }
0xc1: {  	_ =	sfence.sel $0xFFFF  }
0xc2: {  	[dreg:$0x0] =	wrdreg $0xFFFFFFFF;
	(pc) =	sbr.abs _section_cstart, $3  }
0xc3: {  	[dreg:$0x1] =	wrdreg $0xFFFFFFFF  }
0xc4: {  	_ =	task.clear_ibuf [dreg:s7], $0x2FFFF;
	_ =	strace $0x9FFFFFFF  }
0xc5: {  	(tm) =	ssettm $0x7FFFFFFF  }
tec
execute0_lowered:
.L_overlay_start_1:
0x0: {  	(tag) =	ssettag $0x1  }
0x1: {  	s1 =	rddreg [dreg:$0x0]  }
0x2: {  	s3 =	rddreg [dreg:$0x1]  }
0x3: {  	s0 =	rddreg [dreg:$0x2]  }
0x4: {  	s2 =	rddreg [dreg:$0x3];
	s31 =	stileid.u32  }
0x5: {  	s5 =	srdreg.scid;
	s10 =	smul.u32 $0x280, s31  }
0x6: {  	s4 =	rddreg [dreg:$0x4];
	s8 =	simm.s32 $0x0;
	s13 =	smul.u32 $0xA000, s31  }
0x7: {  	s28 =	simm.s32 $0x6;
	s29 =	simm.s32 $0xA;
	s15 =	smul.u32 $0xA00, s31  }
0x8: {  	s6 =	sand.u32 $0x1, s5;
	[smem:$0x7FF] =	sst s8;
	s26 =	smul.u32 $0x28000, s31  }
0x9: {  	s11 =	sadd.s32 $0x28800, s1;
	s22 =	sshll.u32 s31, $0x6;
	s7 =	smul.u32 $0x14000, s6  }
0xa: {  	s19 =	smul.u32 $0x2800, s6;
	_ =	strace $0x80000047;
	s12 =	ssub.s32 $0x2, s6  }
0xb: {  	p0 =	sne.s32 s6, $0x0;
	p1 =	seq.s32 s6, $0x0;
	s6 =	simm.s32 $0x0  }
0xc: {  	s20 =	sshrl.u32 s12, $0x1;
	s21 =	sshrl.u32 s13, $0x3;
	s16 =	sadd.s32 s13, s0  }
0xd: {  	s17 =	sor.u32 $0x10, s15;
	s23 =	sor.u32 $0x20, s15;
	s31 =	sadd.s32 s13, s2  }
0xe: {  	s13 =	sshrl.u32 s13, $0x2;
	s5 =	sshrl.u32 s26, $0x2;
	s7 =	sadd.s32 s7, s1  }
0xf: {  	s8 =	sadd.s32 s10, s19;
	s12 =	ssub.s32 s12, s20;
	s18 =	sadd.s32 s3, s17  }
0x10: {  	s17 =	sadd.s32 s11, s17;
	s24 =	sadd.s32 s3, s23;
	s13 =	sadd.s32 s13, s4  }
0x11: {  	s19 =	sadd.s32 $0x180, s10;
	s31 =	sshrl.u32 s31, $0x3;
	[dreg:$0x8] =	wrdreg s18  }
0x12: {  	s9 =	sshll.u32 s8, $0x3;
	s8 =	sshll.u32 s8, $0x1;
	[dreg:$0x9] =	wrdreg s17  }
0x13: {  	s7 =	sadd.s32 s21, s7;
	[dreg:$0xa] =	wrdreg s24;
	s17 =	sadd.s32 s11, s23  }
0x14: {  	s12 =	smax.u32 s12, $0x1;
	s21 =	sshll.u32 s19, $0x6;
	[dreg:$0x1c] =	wrdreg s31  }
0x15: {  	s23 =	sadd.s32 $0x200, s10;
	s24 =	sshll.u32 s19, $0x4;
	[dreg:$0x10] =	wrdreg s13  }
0x16: {  	s14 =	sadd.s32 s9, s1;
	s1 =	sadd.s32 s8, s1;
	s7 =	sadd.s32 $0x800, s7  }
0x17: {  	s8 =	sadd.s32 s3, s15;
	s9 =	sadd.s32 s11, s15;
	[dreg:$0xb] =	wrdreg s17  }
0x18: {  	s15 =	sor.u32 $0x30, s15;
	[dreg:$0x11] =	wrdreg s12;
	s17 =	sadd.s32 $0x100, s10  }
0x19: {  	[dreg:$0x6] =	wrdreg s7;
	s7 =	sor.u32 $0x1C0B, s22;
	s3 =	sadd.s32 s3, s15  }
0x1a: {  	s25 =	sadd.s32 s11, s15;
	s30 =	sadd.s32 $0x32800, s14;
	s1 =	sadd.s32 $0x5A800, s1  }
0x1b: {  	s14 =	sadd.s32 $0x80, s10;
	s18 =	sshll.u32 s17, $0x6;
	[dreg:$0xc] =	wrdreg s3  }
0x1c: {  	s20 =	sshll.u32 s17, $0x4;
	s22 =	sadd.s32 s21, s2;
	[dreg:$0xd] =	wrdreg s25  }
0x1d: {  	s11 =	simm.s32 $0x80;
	s10 =	simm.s32 $0x380;
	[dreg:$0xe] =	wrdreg s30  }
0x1e: {  	s21 =	simm.s32 $0x8;
	[dreg:$0xf] =	wrdreg s1;
	s1 =	sadd.s32 s5, s2  }
0x1f: {  	s15 =	sshll.u32 s14, $0x6;
	[dreg:$0x17] =	wrdreg s22;
	s25 =	sshll.u32 s23, $0x6  }
0x20: {  	s30 =	sshrl.u32 s16, $0x3;
	s22 =	simm.s32 $0x2400;
	[dreg:$0x7] =	wrdreg s7  }
0x21: {  	s16 =	simm.s32 $0x180;
	[dreg:$0x12] =	wrdreg s1;
	s3 =	sadd.s32 s15, s2  }
0x22: {  	s1 =	sshll.u32 s14, $0x4;
	s26 =	sadd.s32 s25, s2;
	[dreg:$0x1b] =	wrdreg s30  }
0x23: {  	s14 =	simm.s32 $0x180;
	s25 =	simm.s32 $0x9;
	[dreg:$0x13] =	wrdreg s3  }
0x24: {  	s1 =	sadd.s32 s1, s4;
	s3 =	sadd.s32 s24, s4;
	[dreg:$0x19] =	wrdreg s26  }
.Ltmp0:
0x25: {  	[dreg:$0x14] =	wrdreg s1;
	s1 =	sadd.s32 s18, s2;
	(pc) =	sbr.rel .LBB2_1-.Ltmp0, $4  }
0x26: {  	s24 =	simm.s32 $0x5;
	[dreg:$0x15] =	wrdreg s1;
	s1 =	sadd.s32 s20, s4  }
0x27: {  	s26 =	simm.s32 $0x2;
	[dreg:$0x16] =	wrdreg s1;
	s1 =	sshll.u32 s23, $0x4  }
0x28: {  	[dreg:$0x18] =	wrdreg s3;
	s3 =	simm.s32 $0x400;
	s1 =	sadd.s32 s1, s4  }
0x29: {  	v0 =	vimm.f32 $1.000000000e+00;
	v1 =	vimm.f32 $0.0e+00;
	s23 =	simm.s32 $0x1;
	[dreg:$0x1a] =	wrdreg s1;
	s1 =	simm.s32 $0xB  }
.LBB2_6:
0x2a: {  	[bflag:$0x0] =	sbarrier.arrive $0xFFFF  }
0x2b: {  	s7 =	rddreg [dreg:$0x7]  }
0x2c: {  	s5 =	rddreg [dreg:$0xe]  }
0x2d: {  	s6 =	rddreg [dreg:$0x1c]  }
0x2e: {  	[hbm:s5], [sflag:s7] =	dma.local [spmem:s6], $0x1400  }
0x2f: {  	_ =	swait.ge [sflag:s1], $0x1400  }
0x30: {  	[sflag:s1] =	ssyncset.done $0x0;
	s13 =	rddreg [dreg:$0x10]  }
0x31: {  	s20 =	rddreg [dreg:$0xf];
	[sflag:s1] =	ssyncadd.s32 $0xFFFFEC00;
	s19 =	sshrl.u32 s13, $0x3  }
0x32: {  	[hbm:s20], [sflag:s7] =	dma.local [spmem:s19], $0x500  }
0x33: {  	_ =	swait.ge [sflag:s1], $0x500  }
0x34: {  	s30 =	rddreg [dreg:$0x1d]  }
0x35: {  	s31 =	rddreg [dreg:$0x11];
	s6 =	sadd.s32 $0x1, s30  }
0x36: {  	p2 =	sne.s32 s6, s31  }
.Ltmp1:
0x37: {  	_ = 	snop;
	(pc) =	sbr.rel @!p2 .LBB2_7-.Ltmp1, $3  }
0x38: {  	_ =	sdelay $0x1  }
0x39: {  	[sflag:s1] =	ssyncset.done $0x0  }
0x3a: {  	s14 =	simm.s32 $0x180;
	[sflag:s1] =	ssyncadd.s32 $0xFFFFFB00  }
.LBB2_1:
0x3b: {  	s17 =	simm.s32 $0x0  }
0x3c: {  	[tilespmem:s17+$0x4400] =	vst v0  }
0x3d: {  	s31 =	simm.s32 $0x420;
	[tilespmem:s17+$0x4C00] =	vst v1  }
0x3e: {  	[tilespmem:s31+$0xFFFFFFF0] =	vst v1  }
0x3f: {  	[tilespmem:s31+$0xFFFFFFE0] =	vst v1  }
0x40: {  	[dreg:$0x1d] =	wrdreg s6;
	s17 =	simm.s32 $0x40;
	[tilespmem:s31+$0x0] =	vst v1  }
.LBB2_2:
0x41: {  	s19 =	sshra.s32 s17, $0x2;
	[tilespmem:s31+$0x10] =	vst v1;
	p2 =	sne.s32 s17, $0x1FC0  }
.Ltmp2:
0x42: {  	[tilespmem:s19+$0x4400] =	vst v0;
	(pc) =	sbr.rel @p2 .LBB2_2-.Ltmp2, $4  }
0x43: {  	s17 =	sadd.s32 $0x40, s17;
	s31 =	sadd.s32 $0x40, s31;
	[tilespmem:s19+$0x4C00] =	vst v1  }
0x44: {  	[tilespmem:s31+$0xFFFFFFF0] =	vst v1  }
0x45: {  	[tilespmem:s31+$0xFFFFFFE0] =	vst v1  }
0x46: {  	[tilespmem:s31+$0x0] =	vst v1  }
0x47: {  	s5 =	rddreg [dreg:$0x6]  }
0x48: {  	[tilespmem:s31+$0x10] =	vst v1;
	s6 =	rddreg [dreg:$0x1b]  }
0x49: {  	[spmem:s6], [sflag:s7] =	dma.local [hbm:s5], $0x1400  }
0x4a: {  	_ =	swait.ge [sflag:s1], $0x1400  }
0x4b: {  	[sflag:s1] =	ssyncset.done $0x0  }
0x4c: {  	s17 =	rddreg [dreg:$0x12];
	[sflag:s1] =	ssyncadd.s32 $0xFFFFEC00  }
0x4d: {  	[spmem:s17] =	stream.linear.scatter [tilespmem:s3], [sflag:$0xB], $0x2000, $0x38;
	[tilespmem:$0x1BC00] =	vst v63  }
0x4e: {  	_ =	swait.ge [sflag:s1], $0x2000  }
0x4f: {  	[sflag:s1] =	ssyncset.done $0x0  }
0x50: {  	s18 =	simm.s32 $0x4C00;
	[sflag:s1] =	ssyncadd.s32 $0xFFFFE000  }
0x51: {  	[spmem:s13] =	stream.linear.scatter [tilespmem:s18], [sflag:$0xB], $0x800, $0x38;
	[tilespmem:$0x1BC00] =	vst v63  }
0x52: {  	_ =	swait.ge [sflag:s1], $0x800  }
0x53: {  	[sflag:s1] =	ssyncset.done $0x0  }
0x54: {  	s19 =	rddreg [dreg:$0x13];
	[sflag:s1] =	ssyncadd.s32 $0xFFFFF800  }
0x55: {  	[spmem:s19] =	stream.linear.scatter [tilespmem:s3], [sflag:$0xB], $0x2000, $0x38;
	[tilespmem:$0x1BC00] =	vst v63  }
0x56: {  	_ =	swait.ge [sflag:s1], $0x2000  }
0x57: {  	[sflag:s1] =	ssyncset.done $0x0  }
0x58: {  	s20 =	rddreg [dreg:$0x14];
	[sflag:s1] =	ssyncadd.s32 $0xFFFFE000  }
0x59: {  	[spmem:s20] =	stream.linear.scatter [tilespmem:s18], [sflag:$0xB], $0x800, $0x38;
	[tilespmem:$0x1BC00] =	vst v63  }
0x5a: {  	_ =	swait.ge [sflag:s1], $0x800  }
0x5b: {  	[sflag:s1] =	ssyncset.done $0x0  }
0x5c: {  	s30 =	rddreg [dreg:$0x15];
	[sflag:s1] =	ssyncadd.s32 $0xFFFFF800  }
0x5d: {  	[spmem:s30] =	stream.linear.scatter [tilespmem:s3], [sflag:$0xB], $0x2000, $0x38;
	[tilespmem:$0x1BC00] =	vst v63  }
0x5e: {  	_ =	swait.ge [sflag:s1], $0x2000  }
0x5f: {  	[sflag:s1] =	ssyncset.done $0x0  }
0x60: {  	s7 =	rddreg [dreg:$0x16];
	[sflag:s1] =	ssyncadd.s32 $0xFFFFE000  }
0x61: {  	[spmem:s7] =	stream.linear.scatter [tilespmem:s18], [sflag:$0xB], $0x800, $0x38;
	[tilespmem:$0x1BC00] =	vst v63  }
0x62: {  	_ =	swait.ge [sflag:s1], $0x800  }
0x63: {  	[sflag:s1] =	ssyncset.done $0x0  }
0x64: {  	s12 =	rddreg [dreg:$0x17];
	[sflag:s1] =	ssyncadd.s32 $0xFFFFF800  }
0x65: {  	[spmem:s12] =	stream.linear.scatter [tilespmem:s3], [sflag:$0xB], $0x2000, $0x38;
	[tilespmem:$0x1BC00] =	vst v63  }
0x66: {  	_ =	swait.ge [sflag:s1], $0x2000  }
0x67: {  	[sflag:s1] =	ssyncset.done $0x0  }
0x68: {  	s13 =	rddreg [dreg:$0x18];
	[sflag:s1] =	ssyncadd.s32 $0xFFFFE000  }
0x69: {  	[spmem:s13] =	stream.linear.scatter [tilespmem:s18], [sflag:$0xB], $0x800, $0x38;
	[tilespmem:$0x1BC00] =	vst v63  }
0x6a: {  	_ =	swait.ge [sflag:s1], $0x800  }
0x6b: {  	[sflag:s1] =	ssyncset.done $0x0  }
0x6c: {  	s15 =	rddreg [dreg:$0x19];
	[sflag:s1] =	ssyncadd.s32 $0xFFFFF800  }
0x6d: {  	[spmem:s15] =	stream.linear.scatter [tilespmem:s3], [sflag:$0xB], $0x2000, $0x38;
	[tilespmem:$0x1BC00] =	vst v63  }
0x6e: {  	_ =	swait.ge [sflag:s1], $0x2000  }
0x6f: {  	[sflag:s1] =	ssyncset.done $0x0  }
0x70: {  	s17 =	rddreg [dreg:$0x1a];
	[sflag:s1] =	ssyncadd.s32 $0xFFFFE000  }
0x71: {  	[spmem:s17] =	stream.linear.scatter [tilespmem:s18], [sflag:$0xB], $0x800, $0x38;
	[tilespmem:$0x1BC00] =	vst v63  }
0x72: {  	_ =	swait.ge [sflag:s1], $0x800  }
0x73: {  	[sflag:s1] =	ssyncset.done $0x0  }
0x74: {  	[sflag:s1] =	ssyncadd.s32 $0xFFFFF800  }
0x75: {  	s31 =	simm.s32 $0x0;
	[bflag:$0x0] =	sbarrier.arrive $0xFFFF  }
0x76: {  	[tilespmem:s31], [sflag:$0x3] =	stream.linear.gather [hbm4b:s8+s31], $0x80, $0x38;
	[tilespmem:$0x1BC00] =	vst v63  }
0x77: {  	s18 =	simm.s32 $0x200  }
0x78: {  	[tilespmem:s18], [sflag:$0x7] =	stream.linear.gather [hbm4b:s9+s31], $0x80, $0x38;
	[tilespmem:$0x1BC00] =	vst v63  }
0x79: {  	s19 =	rddreg [dreg:$0x8]  }
0x7a: {  	[tilespmem:s11], [sflag:$0x4] =	stream.linear.gather [hbm4b:s19+s31], $0x80, $0x38;
	[tilespmem:$0x1BC00] =	vst v63  }
0x7b: {  	s30 =	simm.s32 $0x280;
	s20 =	rddreg [dreg:$0x9]  }
0x7c: {  	[tilespmem:s30], [sflag:$0x8] =	stream.linear.gather [hbm4b:s20+s31], $0x80, $0x38;
	[tilespmem:$0x1BC00] =	vst v63  }
0x7d: {  	s12 =	simm.s32 $0x100;
	s7 =	rddreg [dreg:$0xa]  }
0x7e: {  	[tilespmem:s12], [sflag:$0x5] =	stream.linear.gather [hbm4b:s7+s31], $0x80, $0x38;
	[tilespmem:$0x1BC00] =	vst v63  }
0x7f: {  	s15 =	simm.s32 $0x300;
	s13 =	rddreg [dreg:$0xb]  }
0x80: {  	[tilespmem:s15], [sflag:$0x9] =	stream.linear.gather [hbm4b:s13+s31], $0x80, $0x38;
	[tilespmem:$0x1BC00] =	vst v63  }
0x81: {  	s17 =	rddreg [dreg:$0xc]  }
0x82: {  	[tilespmem:s14], [sflag:$0x6] =	stream.linear.gather [hbm4b:s17+s31], $0x80, $0x38;
	[tilespmem:$0x1BC00] =	vst v63  }
0x83: {  	s18 =	rddreg [dreg:$0xd];
	s19 =	simm.s32 $0x3  }
0x84: {  	[tilespmem:s10], [sflag:$0xA] =	stream.linear.gather [hbm4b:s18+s31], $0x80, $0x38;
	[tilespmem:$0x1BC00] =	vst v63  }
0x85: {  	_ =	swait.ge [sflag:s19], $0x80  }
0x86: {  	[sflag:s19] =	ssyncset.done $0x0  }
0x87: {  	s20 =	simm.s32 $0x7;
	[sflag:s19] =	ssyncadd.s32 $0xFFFFFF80  }
0x88: {  	_ =	swait.ge [sflag:s20], $0x80  }
0x89: {  	[sflag:s20] =	ssyncset.done $0x0  }
0x8a: {  	s30 =	simm.s32 $0x4;
	[sflag:s20] =	ssyncadd.s32 $0xFFFFFF80  }
0x8b: {  	[tilespmem:s3], [sflag:$0x1] =	stream.indirect.gather [spmem:s0], $0x40, s31, s11, $0xb8;
	[tilespmem:$0x1BC00] =	vst v63  }
0x8c: {  	_ =	swait.ge [sflag:s30], $0x80  }
0x8d: {  	[sflag:s30] =	ssyncset.done $0x0  }
0x8e: {  	[sflag:s30] =	ssyncadd.s32 $0xFFFFFF80  }
0x8f: {  	_ =	swait.ge [sflag:s21], $0x80  }
0x90: {  	[sflag:s21] =	ssyncset.done $0x0  }
0x91: {  	s20 =	simm.s32 $0x380;
	[sflag:s21] =	ssyncadd.s32 $0xFFFFFF80  }
0x92: {  	[tilespmem:s22], [sflag:$0x2] =	stream.indirect.gather [spmem:s0], $0x40, s11, s11, $0xb8;
	[tilespmem:$0x1BC00] =	vst v63  }
.LBB2_4:
0x93: {  	_ =	swait.ge [sflag:s23], $0x2000  }
0x94: {  	[sflag:s23] =	ssyncset.done $0x0  }
0x95: {  	s5 =	simm.s32 $0x200;
	[sflag:s23] =	ssyncadd.s32 $0xFFFFE000  }
0x96: {  	[spmem:s2] =	stream.indirect.scatter.add.f32 [tilespmem:s3], [sflag:$0xB], $0x40, s5, s11, $0xb8;
	[tilespmem:$0x1BC00] =	vst v63  }
0x97: {  	_ =	swait.ge [sflag:s1], $0x2000  }
0x98: {  	s17 =	simm.s32 @!p0 $0x80;
	[sflag:s1] =	ssyncset.done $0x0  }
0x99: {  	s19 =	simm.s32 @!p0 $0x200;
	s18 =	simm.s32 @!p0 $0x4400;
	[sflag:s1] =	ssyncadd.s32 $0xFFFFE000  }
0x9a: {  	[spmem:s4] =	stream.indirect.scatter.add.f32 @!p0 [tilespmem:s18], [sflag:$0xB], $0x10, s19, s17, $0xb8;
	[tilespmem:$0x1BC00] =	vst v63  }
0x9b: {  	s19 =	simm.s32 @!p0 $0xB  }
0x9c: {  	_ =	swait.ge @!p0 [sflag:s19], $0x800  }
0x9d: {  	[sflag:s19] =	ssyncset.done @!p0 $0x0  }
0x9e: {  	[sflag:s19] =	ssyncadd.s32 @!p0 $0xFFFFF800  }
0x9f: {  	_ =	swait.ge [sflag:s24], $0x80  }
0xa0: {  	[sflag:s24] =	ssyncset.done $0x0  }
0xa1: {  	[sflag:s24] =	ssyncadd.s32 $0xFFFFFF80  }
0xa2: {  	_ =	swait.ge [sflag:s25], $0x80  }
0xa3: {  	p2 =	seq.s32 s31, $0x9C0;
	[sflag:s25] =	ssyncset.done $0x0  }
0xa4: {  	s12 =	simm.s32 $0x100;
	s6 =	sadd.s32 @!p2 s31, s8;
	[sflag:s25] =	ssyncadd.s32 $0xFFFFFF80  }
0xa5: {  	[tilespmem:s3], [sflag:$0x1] =	stream.indirect.gather [spmem:s0], $0x40, s12, s11, $0xb8;
	[tilespmem:$0x1BC00] =	vst v63  }
0xa6: {  	s30 =	simm.s32 @!p2 $0x0;
	s7 =	sadd.s32 @!p2 $0x40, s6  }
0xa7: {  	[tilespmem:s30], [sflag:$0x3] =	stream.linear.gather @!p2 [hbm4b:s7+s30], $0x80, $0x38;
	[tilespmem:$0x1BC00] =	vst v63  }
0xa8: {  	s7 =	sadd.s32 @!p2 s31, s9  }
0xa9: {  	s12 =	simm.s32 @!p2 $0x200;
	s10 =	sadd.s32 @!p2 $0x40, s7  }
0xaa: {  	[tilespmem:s12], [sflag:$0x7] =	stream.linear.gather @!p2 [hbm4b:s10+s30], $0x80, $0x38;
	[tilespmem:$0x1BC00] =	vst v63  }
0xab: {  	_ =	swait.ge [sflag:s26], $0x2000  }
0xac: {  	[sflag:s26] =	ssyncset.done $0x0  }
0xad: {  	s13 =	simm.s32 $0x280;
	[sflag:s26] =	ssyncadd.s32 $0xFFFFE000  }
0xae: {  	[spmem:s2] =	stream.indirect.scatter.add.f32 [tilespmem:s22], [sflag:$0xB], $0x40, s13, s11, $0xb8;
	[tilespmem:$0x1BC00] =	vst v63  }
0xaf: {  	_ =	swait.ge [sflag:s1], $0x2000  }
0xb0: {  	s10 =	simm.s32 @!p1 $0x80;
	[sflag:s1] =	ssyncset.done $0x0  }
0xb1: {  	s12 =	simm.s32 @!p1 $0x280;
	s13 =	simm.s32 @!p1 $0x4400;
	[sflag:s1] =	ssyncadd.s32 $0xFFFFE000  }
0xb2: {  	[spmem:s4] =	stream.indirect.scatter.add.f32 @!p1 [tilespmem:s13], [sflag:$0xB], $0x10, s12, s10, $0xb8;
	[tilespmem:$0x1BC00] =	vst v63  }
0xb3: {  	s12 =	simm.s32 @!p1 $0xB  }
0xb4: {  	_ =	swait.ge @!p1 [sflag:s12], $0x800  }
0xb5: {  	[sflag:s12] =	ssyncset.done @!p1 $0x0  }
0xb6: {  	[sflag:s12] =	ssyncadd.s32 @!p1 $0xFFFFF800  }
0xb7: {  	_ =	swait.ge [sflag:s28], $0x80  }
0xb8: {  	[sflag:s28] =	ssyncset.done $0x0  }
0xb9: {  	[sflag:s28] =	ssyncadd.s32 $0xFFFFFF80  }
0xba: {  	_ =	swait.ge [sflag:s29], $0x80  }
0xbb: {  	[sflag:s29] =	ssyncset.done $0x0  }
0xbc: {  	[sflag:s29] =	ssyncadd.s32 $0xFFFFFF80  }
0xbd: {  	[tilespmem:s22], [sflag:$0x2] =	stream.indirect.gather [spmem:s0], $0x40, s14, s11, $0xb8;
	[tilespmem:$0x1BC00] =	vst v63  }
0xbe: {  	s5 =	simm.s32 @!p2 $0x80;
	s14 =	sadd.s32 @!p2 $0x50, s6  }
0xbf: {  	[tilespmem:s5], [sflag:$0x4] =	stream.linear.gather @!p2 [hbm4b:s14+s30], $0x80, $0x38;
	[tilespmem:$0x1BC00] =	vst v63  }
0xc0: {  	s15 =	simm.s32 @!p2 $0x280;
	s14 =	sadd.s32 @!p2 $0x50, s7  }
0xc1: {  	[tilespmem:s15], [sflag:$0x8] =	stream.linear.gather @!p2 [hbm4b:s14+s30], $0x80, $0x38;
	[tilespmem:$0x1BC00] =	vst v63  }
0xc2: {  	_ =	swait.ge [sflag:s23], $0x2000  }
0xc3: {  	[sflag:s23] =	ssyncset.done $0x0  }
0xc4: {  	s15 =	simm.s32 $0x300;
	[sflag:s23] =	ssyncadd.s32 $0xFFFFE000  }
0xc5: {  	[spmem:s2] =	stream.indirect.scatter.add.f32 [tilespmem:s3], [sflag:$0xB], $0x40, s15, s11, $0xb8;
	[tilespmem:$0x1BC00] =	vst v63  }
0xc6: {  	_ =	swait.ge [sflag:s1], $0x2000  }
0xc7: {  	[sflag:s1] =	ssyncset.done $0x0  }
0xc8: {  	s14 =	simm.s32 @!p0 $0x300;
	[sflag:s1] =	ssyncadd.s32 $0xFFFFE000  }
0xc9: {  	[spmem:s4] =	stream.indirect.scatter.add.f32 @!p0 [tilespmem:s18], [sflag:$0xB], $0x10, s14, s17, $0xb8;
	[tilespmem:$0x1BC00] =	vst v63  }
0xca: {  	_ =	swait.ge @!p0 [sflag:s19], $0x800  }
0xcb: {  	[sflag:s19] =	ssyncset.done @!p0 $0x0  }
0xcc: {  	s14 =	simm.s32 @!p2 $0x3;
	[sflag:s19] =	ssyncadd.s32 @!p0 $0xFFFFF800  }
0xcd: {  	_ =	swait.ge @!p2 [sflag:s14], $0x80  }
0xce: {  	[sflag:s14] =	ssyncset.done @!p2 $0x0  }
0xcf: {  	[sflag:s14] =	ssyncadd.s32 @!p2 $0xFFFFFF80;
	s14 =	simm.s32 @!p2 $0x7  }
0xd0: {  	_ =	swait.ge @!p2 [sflag:s14], $0x80  }
0xd1: {  	[sflag:s14] =	ssyncset.done @!p2 $0x0  }
0xd2: {  	[sflag:s14] =	ssyncadd.s32 @!p2 $0xFFFFFF80;
	s14 =	simm.s32 @!p2 $0x400  }
0xd3: {  	[tilespmem:s14], [sflag:$0x1] =	stream.indirect.gather @!p2 [spmem:s0], $0x40, s30, s5, $0xb8;
	[tilespmem:$0x1BC00] =	vst v63  }
0xd4: {  	s5 =	sadd.s32 @!p2 $0x60, s6;
	s6 =	simm.s32 @!p2 $0x100  }
0xd5: {  	[tilespmem:s6], [sflag:$0x5] =	stream.linear.gather @!p2 [hbm4b:s5+s30], $0x80, $0x38;
	[tilespmem:$0x1BC00] =	vst v63  }
0xd6: {  	s5 =	sadd.s32 @!p2 $0x60, s7;
	s6 =	simm.s32 @!p2 $0x300  }
0xd7: {  	[tilespmem:s6], [sflag:$0x9] =	stream.linear.gather @!p2 [hbm4b:s5+s30], $0x80, $0x38;
	[tilespmem:$0x1BC00] =	vst v63  }
0xd8: {  	_ =	swait.ge [sflag:s26], $0x2000  }
0xd9: {  	[sflag:s26] =	ssyncset.done $0x0  }
0xda: {  	[sflag:s26] =	ssyncadd.s32 $0xFFFFE000  }
0xdb: {  	[spmem:s2] =	stream.indirect.scatter.add.f32 [tilespmem:s22], [sflag:$0xB], $0x40, s20, s11, $0xb8;
	[tilespmem:$0x1BC00] =	vst v63  }
0xdc: {  	_ =	swait.ge [sflag:s1], $0x2000  }
0xdd: {  	[sflag:s1] =	ssyncset.done $0x0  }
.Ltmp3:
0xde: {  	s5 =	simm.s32 @!p1 $0x380;
	[sflag:s1] =	ssyncadd.s32 $0xFFFFE000;
	(pc) =	sbr.rel @p2 .LBB2_6-.Ltmp3, $4  }
0xdf: {  	[spmem:s4] =	stream.indirect.scatter.add.f32 @!p1 [tilespmem:s13], [sflag:$0xB], $0x10, s5, s10, $0xb8;
	[tilespmem:$0x1BC00] =	vst v63  }
0xe0: {  	_ =	swait.ge @!p1 [sflag:s12], $0x800  }
0xe1: {  	[sflag:s12] =	ssyncset.done @!p1 $0x0  }
0xe2: {  	s10 =	simm.s32 $0x380;
	[sflag:s12] =	ssyncadd.s32 @!p1 $0xFFFFF800  }
0xe3: {  	s5 =	simm.s32 $0x4  }
0xe4: {  	_ =	swait.ge [sflag:s5], $0x80  }
0xe5: {  	[sflag:s5] =	ssyncset.done $0x0  }
0xe6: {  	[sflag:s5] =	ssyncadd.s32 $0xFFFFFF80  }
0xe7: {  	_ =	swait.ge [sflag:s21], $0x80  }
0xe8: {  	[sflag:s21] =	ssyncset.done $0x0  }
0xe9: {  	[sflag:s21] =	ssyncadd.s32 $0xFFFFFF80  }
0xea: {  	[tilespmem:s22], [sflag:$0x2] =	stream.indirect.gather [spmem:s0], $0x40, s11, s11, $0xb8;
	[tilespmem:$0x1BC00] =	vst v63  }
.Ltmp4:
0xeb: {  	s20 =	sadd.s32 s31, s8;
	s6 =	simm.s32 $0x0;
	(pc) =	sbr.rel .LBB2_4-.Ltmp4, $4  }
0xec: {  	s30 =	sadd.s32 s31, s9;
	s31 =	sadd.s32 $0x40, s31;
	s5 =	sadd.s32 $0x70, s20  }
0xed: {  	[tilespmem:s16], [sflag:$0x6] =	stream.linear.gather [hbm4b:s5+s6], $0x80, $0x38;
	[tilespmem:$0x1BC00] =	vst v63  }
0xee: {  	s14 =	simm.s32 $0x180;
	s20 =	simm.s32 $0x380;
	s5 =	sadd.s32 $0x70, s30  }
0xef: {  	[tilespmem:s10], [sflag:$0xA] =	stream.linear.gather [hbm4b:s5+s6], $0x80, $0x38;
	[tilespmem:$0x1BC00] =	vst v63  }
.LBB2_7:
0xf0: {  	_ =	sfence.sel $0x180000  }
0xf1: {  	[bflag:$0x0] =	sbarrier.arrive $0xFFFF  }
0xf2: {  	_ =	strace $0x90000047  }
0xf3: {  	s0 =	stileid.u32;
	[bflag:$0x2] =	sbarrier.arrive $0xFFFF  }
0xf4: {  	p0 =	sne.s32 s0, $0x0;
	s0 =	rddreg [dreg:$0x5]  }
0xf5: {  	s0 =	sadd.s32 @!p0 $0x100000, s0  }
0xf6: {  	[sflag:s0] =	ssyncadd.tile.s32 @!p0 $0x1;
	_ =	shalt  }
.Lfunc_end2:
_tile_overlayer_lowered:
.L_overlay_start_2:
0xf7: {  	(tag) =	ssettag $0x2  }
0xf8: {  	s0 =	rddreg [dreg:$0x0];
	s2 =	stileid.u32  }
0xf9: {  	s1 =	rddreg [dreg:$0x1];
	p0 =	sne.s32 s2, $0x0  }
0xfa: {  	s3 =	rddreg [dreg:$0x2];
	[bflag:$0x3] =	sbarrier.arrive $0xFFFF;
	s2 =	simm.s32 @!p0 $0x1C0B  }
0xfb: {  	[timem:s3], [sflag:s2] =	dma.local @!p0 [hbm:s0], s1  }
0xfc: {  	s0 =	simm.s32 @!p0 $0xB  }
0xfd: {  	_ =	swait.ge @!p0 [sflag:s0], s1  }
0xfe: {  	s1 =	ssub.s32 @!p0 $0x0, s1;
	[sflag:s0] =	ssyncset.done @!p0 $0x0  }
0xff: {  	[sflag:s0] =	ssyncadd.s32 @!p0 s1  }
0x100: {  	[bflag:$0x3] =	sbarrier.arrive $0xFFFF  }
0x101: {  	_ =	shalt  }

</sc_bundles>
